<compile_context>
chip_gen: v7x
topology: tpu7x:2x2x1
jax: 0.10.2.dev20260603
libtpu: 0.0.44.dev20260713+nightly
codegen_flags: <defaults>
</compile_context>

<pallas_src>
import functools

import jax
import jax.numpy as jnp
from jax import lax
from jax.experimental import pallas as pl
from jax.experimental.pallas import tpu as pltpu
from jax.experimental.pallas import tpu_sc as plsc

VOCAB = 1000
L = 20
B = 1024
ROWS = B * L
NC, NS = 2, 16
NW = NC * NS
RPW = ROWS // NW
CHUNK = 40
NCHUNK = RPW // CHUNK


def _sc_gather(table, idx_flat):
    mesh = plsc.VectorSubcoreMesh(core_axis_name="c", subcore_axis_name="s")

    @functools.partial(
        pl.kernel,
        mesh=mesh,
        out_type=jax.ShapeDtypeStruct((ROWS, VOCAB), jnp.float32),
        scratch_types=[
            pltpu.VMEM((RPW,), jnp.int32),
            pltpu.VMEM((CHUNK, VOCAB), jnp.float32),
            pltpu.VMEM((CHUNK, VOCAB), jnp.float32),
            pltpu.SemaphoreType.DMA,
            pltpu.SemaphoreType.DMA,
            pltpu.SemaphoreType.DMA,
            pltpu.SemaphoreType.DMA,
        ],
        compiler_params=pltpu.CompilerParams(use_tc_tiling_on_sc=False),
    )
    def k(table_hbm, idx_hbm, out_hbm, idx_v, buf0, buf1, g0, g1, s0, s1):
        wid = lax.axis_index("s") * NC + lax.axis_index("c")
        r0 = wid * RPW
        pltpu.sync_copy(idx_hbm.at[pl.ds(r0, RPW)], idx_v)

        bufs = (buf0, buf1)
        gsems = (g0, g1)
        ssems = (s0, s1)

        def gather(c):
            return pltpu.async_copy(
                table_hbm.at[idx_v.at[pl.ds(c * CHUNK, CHUNK)]],
                bufs[c % 2],
                gsems[c % 2],
            )

        def store(c):
            return pltpu.async_copy(
                bufs[c % 2],
                out_hbm.at[pl.ds(r0 + c * CHUNK, CHUNK)],
                ssems[c % 2],
            )

        gd = [None] * NCHUNK
        sd = [None] * NCHUNK
        gd[0] = gather(0)
        gd[1] = gather(1)
        gd[0].wait()
        sd[0] = store(0)
        for c in range(1, NCHUNK):
            sd[c - 1].wait()
            if c + 1 < NCHUNK:
                gd[c + 1] = gather(c + 1)
            gd[c].wait()
            sd[c] = store(c)
        sd[NCHUNK - 1].wait()

    return k(table, idx_flat)


def kernel(inputs, table):
    idx_flat = inputs.astype(jnp.int32).reshape(ROWS)
    return _sc_gather(table, idx_flat).reshape(B, L * VOCAB)

# --- scband reference (transcript-rebuilt; emitter-appended) ---
"""Pipeline reference for scband-trigram-language-model-70068096467999 (READ-ONLY COPY).

The authoritative reference and input builder live on the scoring server;
editing this copy changes nothing except your own understanding.
"""

import jax, jax.numpy as jnp
import numpy as np

VOCAB = 1000
B = 1024
L = 20

def setup_inputs(seed: int = 0) -> dict:
    key = jax.random.key(seed)
    k1, k2 = jax.random.split(key)
    inputs = jax.random.randint(k1, (B, L), 0, VOCAB, dtype=jnp.int64)
    # nn.Embedding default init: N(0, 1)
    table = jax.random.normal(k2, (VOCAB, VOCAB), dtype=jnp.float32)
    return {"inputs": inputs, "table": table}

def reference(inputs, table):
    Z = jnp.take(table, inputs, axis=0)          # [B, L, VOCAB]
    z = Z.reshape(Z.shape[0], -1)                # [B, L*VOCAB]
    return z

if __name__ == "__main__":
    import jax
    _d = setup_inputs()
    print(jax.jit(kernel)(*tuple(_d.values())))

</pallas_src>

<mosaic_0001>
#map = affine_map<(d0, d1) -> (0, 0)>
#map1 = affine_map<(d0, d1) -> (0)>
module attributes {stable_mosaic.version = 14 : i64} {
  func.func @k(%arg0: i32, %arg1: i32, %arg2: memref<1000x1000xf32, #tpu.memory_space<hbm>>, %arg3: memref<20480xi32, #tpu.memory_space<hbm>>, %arg4: memref<20480x1000xf32, #tpu.memory_space<hbm>>, %arg5: memref<640xi32, #tpu.memory_space<vmem>>, %arg6: memref<40x1000xf32, #tpu.memory_space<vmem>>, %arg7: memref<40x1000xf32, #tpu.memory_space<vmem>>, %arg8: memref<!tpu.dma_semaphore, #tpu.memory_space<semaphore_mem>>, %arg9: memref<!tpu.dma_semaphore, #tpu.memory_space<semaphore_mem>>, %arg10: memref<!tpu.dma_semaphore, #tpu.memory_space<semaphore_mem>>, %arg11: memref<!tpu.dma_semaphore, #tpu.memory_space<semaphore_mem>>) attributes {dimension_semantics = [#tpu.dimension_semantics<core_parallel>, #tpu.dimension_semantics<subcore_parallel>], iteration_bounds = array<i64: 2, 16>, scalar_prefetch = 0 : i64, scratch_operands = 7 : i64, tpu.core_type = #tpu.core_type<sc_vector_subcore>, window_params = [{transform_indices = #map}, {transform_indices = #map1}, {transform_indices = #map}]} {
    %mul3A = arith.constant 2 : i32
    %mul3A_0 = arith.muli %arg1, %mul3A : i32
    %add3A = arith.addi %mul3A_0, %arg0 : i32
    %mul3A_1 = arith.constant 640 : i32
    %mul3A_2 = arith.muli %add3A, %mul3A_1 : i32
    "tpu.region"() ({
      %run_scoped3A = tpu.sem_alloc : memref<!tpu.dma_semaphore, #tpu.memory_space<semaphore_mem>>
      %dma_start3A_321 = tpu.memref_slice %arg3[%mul3A_2] : memref<20480xi32, #tpu.memory_space<hbm>> -> memref<640xi32, #tpu.memory_space<hbm>>
      %dma_start3A_322 = tpu.memref_slice %arg3[%mul3A_2] : memref<20480xi32, #tpu.memory_space<hbm>> -> memref<640xi32, #tpu.memory_space<hbm>>
      tpu.enqueue_dma source(%dma_start3A_322 : memref<640xi32, #tpu.memory_space<hbm>>) target(%arg5 : memref<640xi32, #tpu.memory_space<vmem>>) target_semaphore(%run_scoped3A : memref<!tpu.dma_semaphore, #tpu.memory_space<semaphore_mem>>)
      %dma_wait3A_323 = tpu.memref_slice %arg3[%mul3A_2] : memref<20480xi32, #tpu.memory_space<hbm>> -> memref<640xi32, #tpu.memory_space<hbm>>
      %dma_wait3A_324 = tpu.memref_slice %arg3[%mul3A_2] : memref<20480xi32, #tpu.memory_space<hbm>> -> memref<640xi32, #tpu.memory_space<hbm>>
      tpu.wait_dma2 semaphore(%run_scoped3A : memref<!tpu.dma_semaphore, #tpu.memory_space<semaphore_mem>>) src(%dma_wait3A_324 : memref<640xi32, #tpu.memory_space<hbm>>) dst(%arg5 : memref<640xi32, #tpu.memory_space<vmem>>)
      tpu.yield
    }) : () -> ()
    %dma_start3A = arith.constant 0 : i32
    %dma_start3A_3 = tpu.memref_slice %arg5[%dma_start3A] : memref<640xi32, #tpu.memory_space<vmem>> -> memref<40xi32, #tpu.memory_space<vmem>>
    %dma_start3A_4 = arith.constant 0 : i32
    %dma_start3A_5 = arith.constant 0 : i32
    %dma_start3A_6 = tpu.memref_slice %arg2[%dma_start3A_4, %dma_start3A_5] : memref<1000x1000xf32, #tpu.memory_space<hbm>> -> memref<1000x1000xf32, #tpu.memory_space<hbm>>
    tpu.enqueue_indirect_dma source(%dma_start3A_6 : memref<1000x1000xf32, #tpu.memory_space<hbm>>) target(%arg6 : memref<40x1000xf32, #tpu.memory_space<vmem>>) offsets(%dma_start3A_3 : memref<40xi32, #tpu.memory_space<vmem>>) semaphore(%arg8 : memref<!tpu.dma_semaphore, #tpu.memory_space<semaphore_mem>>)
    %dma_start3A_7 = arith.constant 40 : i32
    %dma_start3A_8 = tpu.memref_slice %arg5[%dma_start3A_7] : memref<640xi32, #tpu.memory_space<vmem>> -> memref<40xi32, #tpu.memory_space<vmem>>
    %dma_start3A_9 = arith.constant 0 : i32
    %dma_start3A_10 = arith.constant 0 : i32
    %dma_start3A_11 = tpu.memref_slice %arg2[%dma_start3A_9, %dma_start3A_10] : memref<1000x1000xf32, #tpu.memory_space<hbm>> -> memref<1000x1000xf32, #tpu.memory_space<hbm>>
    tpu.enqueue_indirect_dma source(%dma_start3A_11 : memref<1000x1000xf32, #tpu.memory_space<hbm>>) target(%arg7 : memref<40x1000xf32, #tpu.memory_space<vmem>>) offsets(%dma_start3A_8 : memref<40xi32, #tpu.memory_space<vmem>>) semaphore(%arg9 : memref<!tpu.dma_semaphore, #tpu.memory_space<semaphore_mem>>)
    %dma_wait3A = arith.constant 0 : i32
    %dma_wait3A_12 = tpu.memref_slice %arg5[%dma_wait3A] : memref<640xi32, #tpu.memory_space<vmem>> -> memref<40xi32, #tpu.memory_space<vmem>>
    %dma_wait3A_13 = arith.constant 0 : i32
    %dma_wait3A_14 = arith.constant 0 : i32
    %dma_wait3A_15 = tpu.memref_slice %arg2[%dma_wait3A_13, %dma_wait3A_14] : memref<1000x1000xf32, #tpu.memory_space<hbm>> -> memref<1000x1000xf32, #tpu.memory_space<hbm>>
    tpu.wait_indirect_dma semaphore(%arg8 : memref<!tpu.dma_semaphore, #tpu.memory_space<semaphore_mem>>) src(%dma_wait3A_15 : memref<1000x1000xf32, #tpu.memory_space<hbm>>) dst(%arg6 : memref<40x1000xf32, #tpu.memory_space<vmem>>)
    %add3A_16 = arith.constant 0 : i32
    %add3A_17 = arith.addi %mul3A_2, %add3A_16 : i32
    %dma_start3A_18 = arith.constant 0 : i32
    %dma_start3A_19 = tpu.memref_slice %arg4[%add3A_17, %dma_start3A_18] : memref<20480x1000xf32, #tpu.memory_space<hbm>> -> memref<40x1000xf32, #tpu.memory_space<hbm>>
    %dma_start3A_20 = arith.constant 0 : i32
    %dma_start3A_21 = tpu.memref_slice %arg4[%add3A_17, %dma_start3A_20] : memref<20480x1000xf32, #tpu.memory_space<hbm>> -> memref<40x1000xf32, #tpu.memory_space<hbm>>
    tpu.enqueue_dma source(%arg6 : memref<40x1000xf32, #tpu.memory_space<vmem>>) target(%dma_start3A_21 : memref<40x1000xf32, #tpu.memory_space<hbm>>) target_semaphore(%arg10 : memref<!tpu.dma_semaphore, #tpu.memory_space<semaphore_mem>>)
    %dma_wait3A_22 = arith.constant 0 : i32
    %dma_wait3A_23 = tpu.memref_slice %arg4[%add3A_17, %dma_wait3A_22] : memref<20480x1000xf32, #tpu.memory_space<hbm>> -> memref<40x1000xf32, #tpu.memory_space<hbm>>
    %dma_wait3A_24 = arith.constant 0 : i32
    %dma_wait3A_25 = tpu.memref_slice %arg4[%add3A_17, %dma_wait3A_24] : memref<20480x1000xf32, #tpu.memory_space<hbm>> -> memref<40x1000xf32, #tpu.memory_space<hbm>>
    tpu.wait_dma2 semaphore(%arg10 : memref<!tpu.dma_semaphore, #tpu.memory_space<semaphore_mem>>) src(%arg6 : memref<40x1000xf32, #tpu.memory_space<vmem>>) dst(%dma_wait3A_25 : memref<40x1000xf32, #tpu.memory_space<hbm>>)
    %dma_start3A_26 = arith.constant 80 : i32
    %dma_start3A_27 = tpu.memref_slice %arg5[%dma_start3A_26] : memref<640xi32, #tpu.memory_space<vmem>> -> memref<40xi32, #tpu.memory_space<vmem>>
    %dma_start3A_28 = arith.constant 0 : i32
    %dma_start3A_29 = arith.constant 0 : i32
    %dma_start3A_30 = tpu.memref_slice %arg2[%dma_start3A_28, %dma_start3A_29] : memref<1000x1000xf32, #tpu.memory_space<hbm>> -> memref<1000x1000xf32, #tpu.memory_space<hbm>>
    tpu.enqueue_indirect_dma source(%dma_start3A_30 : memref<1000x1000xf32, #tpu.memory_space<hbm>>) target(%arg6 : memref<40x1000xf32, #tpu.memory_space<vmem>>) offsets(%dma_start3A_27 : memref<40xi32, #tpu.memory_space<vmem>>) semaphore(%arg8 : memref<!tpu.dma_semaphore, #tpu.memory_space<semaphore_mem>>)
    %dma_wait3A_31 = arith.constant 40 : i32
    %dma_wait3A_32 = tpu.memref_slice %arg5[%dma_wait3A_31] : memref<640xi32, #tpu.memory_space<vmem>> -> memref<40xi32, #tpu.memory_space<vmem>>
    %dma_wait3A_33 = arith.constant 0 : i32
    %dma_wait3A_34 = arith.constant 0 : i32
    %dma_wait3A_35 = tpu.memref_slice %arg2[%dma_wait3A_33, %dma_wait3A_34] : memref<1000x1000xf32, #tpu.memory_space<hbm>> -> memref<1000x1000xf32, #tpu.memory_space<hbm>>
    tpu.wait_indirect_dma semaphore(%arg9 : memref<!tpu.dma_semaphore, #tpu.memory_space<semaphore_mem>>) src(%dma_wait3A_35 : memref<1000x1000xf32, #tpu.memory_space<hbm>>) dst(%arg7 : memref<40x1000xf32, #tpu.memory_space<vmem>>)
    %add3A_36 = arith.constant 40 : i32
    %add3A_37 = arith.addi %mul3A_2, %add3A_36 : i32
    %dma_start3A_38 = arith.constant 0 : i32
    %dma_start3A_39 = tpu.memref_slice %arg4[%add3A_37, %dma_start3A_38] : memref<20480x1000xf32, #tpu.memory_space<hbm>> -> memref<40x1000xf32, #tpu.memory_space<hbm>>
    %dma_start3A_40 = arith.constant 0 : i32
    %dma_start3A_41 = tpu.memref_slice %arg4[%add3A_37, %dma_start3A_40] : memref<20480x1000xf32, #tpu.memory_space<hbm>> -> memref<40x1000xf32, #tpu.memory_space<hbm>>
    tpu.enqueue_dma source(%arg7 : memref<40x1000xf32, #tpu.memory_space<vmem>>) target(%dma_start3A_41 : memref<40x1000xf32, #tpu.memory_space<hbm>>) target_semaphore(%arg11 : memref<!tpu.dma_semaphore, #tpu.memory_space<semaphore_mem>>)
    %dma_wait3A_42 = arith.constant 0 : i32
    %dma_wait3A_43 = tpu.memref_slice %arg4[%add3A_37, %dma_wait3A_42] : memref<20480x1000xf32, #tpu.memory_space<hbm>> -> memref<40x1000xf32, #tpu.memory_space<hbm>>
    %dma_wait3A_44 = arith.constant 0 : i32
    %dma_wait3A_45 = tpu.memref_slice %arg4[%add3A_37, %dma_wait3A_44] : memref<20480x1000xf32, #tpu.memory_space<hbm>> -> memref<40x1000xf32, #tpu.memory_space<hbm>>
    tpu.wait_dma2 semaphore(%arg11 : memref<!tpu.dma_semaphore, #tpu.memory_space<semaphore_mem>>) src(%arg7 : memref<40x1000xf32, #tpu.memory_space<vmem>>) dst(%dma_wait3A_45 : memref<40x1000xf32, #tpu.memory_space<hbm>>)
    %dma_start3A_46 = arith.constant 120 : i32
    %dma_start3A_47 = tpu.memref_slice %arg5[%dma_start3A_46] : memref<640xi32, #tpu.memory_space<vmem>> -> memref<40xi32, #tpu.memory_space<vmem>>
    %dma_start3A_48 = arith.constant 0 : i32
    %dma_start3A_49 = arith.constant 0 : i32
    %dma_start3A_50 = tpu.memref_slice %arg2[%dma_start3A_48, %dma_start3A_49] : memref<1000x1000xf32, #tpu.memory_space<hbm>> -> memref<1000x1000xf32, #tpu.memory_space<hbm>>
    tpu.enqueue_indirect_dma source(%dma_start3A_50 : memref<1000x1000xf32, #tpu.memory_space<hbm>>) target(%arg7 : memref<40x1000xf32, #tpu.memory_space<vmem>>) offsets(%dma_start3A_47 : memref<40xi32, #tpu.memory_space<vmem>>) semaphore(%arg9 : memref<!tpu.dma_semaphore, #tpu.memory_space<semaphore_mem>>)
    %dma_wait3A_51 = arith.constant 80 : i32
    %dma_wait3A_52 = tpu.memref_slice %arg5[%dma_wait3A_51] : memref<640xi32, #tpu.memory_space<vmem>> -> memref<40xi32, #tpu.memory_space<vmem>>
    %dma_wait3A_53 = arith.constant 0 : i32
    %dma_wait3A_54 = arith.constant 0 : i32
    %dma_wait3A_55 = tpu.memref_slice %arg2[%dma_wait3A_53, %dma_wait3A_54] : memref<1000x1000xf32, #tpu.memory_space<hbm>> -> memref<1000x1000xf32, #tpu.memory_space<hbm>>
    tpu.wait_indirect_dma semaphore(%arg8 : memref<!tpu.dma_semaphore, #tpu.memory_space<semaphore_mem>>) src(%dma_wait3A_55 : memref<1000x1000xf32, #tpu.memory_space<hbm>>) dst(%arg6 : memref<40x1000xf32, #tpu.memory_space<vmem>>)
    %add3A_56 = arith.constant 80 : i32
    %add3A_57 = arith.addi %mul3A_2, %add3A_56 : i32
    %dma_start3A_58 = arith.constant 0 : i32
    %dma_start3A_59 = tpu.memref_slice %arg4[%add3A_57, %dma_start3A_58] : memref<20480x1000xf32, #tpu.memory_space<hbm>> -> memref<40x1000xf32, #tpu.memory_space<hbm>>
    %dma_start3A_60 = arith.constant 0 : i32
    %dma_start3A_61 = tpu.memref_slice %arg4[%add3A_57, %dma_start3A_60] : memref<20480x1000xf32, #tpu.memory_space<hbm>> -> memref<40x1000xf32, #tpu.memory_space<hbm>>
    tpu.enqueue_dma source(%arg6 : memref<40x1000xf32, #tpu.memory_space<vmem>>) target(%dma_start3A_61 : memref<40x1000xf32, #tpu.memory_space<hbm>>) target_semaphore(%arg10 : memref<!tpu.dma_semaphore, #tpu.memory_space<semaphore_mem>>)
    %dma_wait3A_62 = arith.constant 0 : i32
    %dma_wait3A_63 = tpu.memref_slice %arg4[%add3A_57, %dma_wait3A_62] : memref<20480x1000xf32, #tpu.memory_space<hbm>> -> memref<40x1000xf32, #tpu.memory_space<hbm>>
    %dma_wait3A_64 = arith.constant 0 : i32
    %dma_wait3A_65 = tpu.memref_slice %arg4[%add3A_57, %dma_wait3A_64] : memref<20480x1000xf32, #tpu.memory_space<hbm>> -> memref<40x1000xf32, #tpu.memory_space<hbm>>
    tpu.wait_dma2 semaphore(%arg10 : memref<!tpu.dma_semaphore, #tpu.memory_space<semaphore_mem>>) src(%arg6 : memref<40x1000xf32, #tpu.memory_space<vmem>>) dst(%dma_wait3A_65 : memref<40x1000xf32, #tpu.memory_space<hbm>>)
    %dma_start3A_66 = arith.constant 160 : i32
    %dma_start3A_67 = tpu.memref_slice %arg5[%dma_start3A_66] : memref<640xi32, #tpu.memory_space<vmem>> -> memref<40xi32, #tpu.memory_space<vmem>>
    %dma_start3A_68 = arith.constant 0 : i32
    %dma_start3A_69 = arith.constant 0 : i32
    %dma_start3A_70 = tpu.memref_slice %arg2[%dma_start3A_68, %dma_start3A_69] : memref<1000x1000xf32, #tpu.memory_space<hbm>> -> memref<1000x1000xf32, #tpu.memory_space<hbm>>
    tpu.enqueue_indirect_dma source(%dma_start3A_70 : memref<1000x1000xf32, #tpu.memory_space<hbm>>) target(%arg6 : memref<40x1000xf32, #tpu.memory_space<vmem>>) offsets(%dma_start3A_67 : memref<40xi32, #tpu.memory_space<vmem>>) semaphore(%arg8 : memref<!tpu.dma_semaphore, #tpu.memory_space<semaphore_mem>>)
    %dma_wait3A_71 = arith.constant 120 : i32
    %dma_wait3A_72 = tpu.memref_slice %arg5[%dma_wait3A_71] : memref<640xi32, #tpu.memory_space<vmem>> -> memref<40xi32, #tpu.memory_space<vmem>>
    %dma_wait3A_73 = arith.constant 0 : i32
    %dma_wait3A_74 = arith.constant 0 : i32
    %dma_wait3A_75 = tpu.memref_slice %arg2[%dma_wait3A_73, %dma_wait3A_74] : memref<1000x1000xf32, #tpu.memory_space<hbm>> -> memref<1000x1000xf32, #tpu.memory_space<hbm>>
    tpu.wait_indirect_dma semaphore(%arg9 : memref<!tpu.dma_semaphore, #tpu.memory_space<semaphore_mem>>) src(%dma_wait3A_75 : memref<1000x1000xf32, #tpu.memory_space<hbm>>) dst(%arg7 : memref<40x1000xf32, #tpu.memory_space<vmem>>)
    %add3A_76 = arith.constant 120 : i32
    %add3A_77 = arith.addi %mul3A_2, %add3A_76 : i32
    %dma_start3A_78 = arith.constant 0 : i32
    %dma_start3A_79 = tpu.memref_slice %arg4[%add3A_77, %dma_start3A_78] : memref<20480x1000xf32, #tpu.memory_space<hbm>> -> memref<40x1000xf32, #tpu.memory_space<hbm>>
    %dma_start3A_80 = arith.constant 0 : i32
    %dma_start3A_81 = tpu.memref_slice %arg4[%add3A_77, %dma_start3A_80] : memref<20480x1000xf32, #tpu.memory_space<hbm>> -> memref<40x1000xf32, #tpu.memory_space<hbm>>
    tpu.enqueue_dma source(%arg7 : memref<40x1000xf32, #tpu.memory_space<vmem>>) target(%dma_start3A_81 : memref<40x1000xf32, #tpu.memory_space<hbm>>) target_semaphore(%arg11 : memref<!tpu.dma_semaphore, #tpu.memory_space<semaphore_mem>>)
    %dma_wait3A_82 = arith.constant 0 : i32
    %dma_wait3A_83 = tpu.memref_slice %arg4[%add3A_77, %dma_wait3A_82] : memref<20480x1000xf32, #tpu.memory_space<hbm>> -> memref<40x1000xf32, #tpu.memory_space<hbm>>
    %dma_wait3A_84 = arith.constant 0 : i32
    %dma_wait3A_85 = tpu.memref_slice %arg4[%add3A_77, %dma_wait3A_84] : memref<20480x1000xf32, #tpu.memory_space<hbm>> -> memref<40x1000xf32, #tpu.memory_space<hbm>>
    tpu.wait_dma2 semaphore(%arg11 : memref<!tpu.dma_semaphore, #tpu.memory_space<semaphore_mem>>) src(%arg7 : memref<40x1000xf32, #tpu.memory_space<vmem>>) dst(%dma_wait3A_85 : memref<40x1000xf32, #tpu.memory_space<hbm>>)
    %dma_start3A_86 = arith.constant 200 : i32
    %dma_start3A_87 = tpu.memref_slice %arg5[%dma_start3A_86] : memref<640xi32, #tpu.memory_space<vmem>> -> memref<40xi32, #tpu.memory_space<vmem>>
    %dma_start3A_88 = arith.constant 0 : i32
    %dma_start3A_89 = arith.constant 0 : i32
    %dma_start3A_90 = tpu.memref_slice %arg2[%dma_start3A_88, %dma_start3A_89] : memref<1000x1000xf32, #tpu.memory_space<hbm>> -> memref<1000x1000xf32, #tpu.memory_space<hbm>>
    tpu.enqueue_indirect_dma source(%dma_start3A_90 : memref<1000x1000xf32, #tpu.memory_space<hbm>>) target(%arg7 : memref<40x1000xf32, #tpu.memory_space<vmem>>) offsets(%dma_start3A_87 : memref<40xi32, #tpu.memory_space<vmem>>) semaphore(%arg9 : memref<!tpu.dma_semaphore, #tpu.memory_space<semaphore_mem>>)
    %dma_wait3A_91 = arith.constant 160 : i32
    %dma_wait3A_92 = tpu.memref_slice %arg5[%dma_wait3A_91] : memref<640xi32, #tpu.memory_space<vmem>> -> memref<40xi32, #tpu.memory_space<vmem>>
    %dma_wait3A_93 = arith.constant 0 : i32
    %dma_wait3A_94 = arith.constant 0 : i32
    %dma_wait3A_95 = tpu.memref_slice %arg2[%dma_wait3A_93, %dma_wait3A_94] : memref<1000x1000xf32, #tpu.memory_space<hbm>> -> memref<1000x1000xf32, #tpu.memory_space<hbm>>
    tpu.wait_indirect_dma semaphore(%arg8 : memref<!tpu.dma_semaphore, #tpu.memory_space<semaphore_mem>>) src(%dma_wait3A_95 : memref<1000x1000xf32, #tpu.memory_space<hbm>>) dst(%arg6 : memref<40x1000xf32, #tpu.memory_space<vmem>>)
    %add3A_96 = arith.constant 160 : i32
    %add3A_97 = arith.addi %mul3A_2, %add3A_96 : i32
    %dma_start3A_98 = arith.constant 0 : i32
    %dma_start3A_99 = tpu.memref_slice %arg4[%add3A_97, %dma_start3A_98] : memref<20480x1000xf32, #tpu.memory_space<hbm>> -> memref<40x1000xf32, #tpu.memory_space<hbm>>
    %dma_start3A_100 = arith.constant 0 : i32
    %dma_start3A_101 = tpu.memref_slice %arg4[%add3A_97, %dma_start3A_100] : memref<20480x1000xf32, #tpu.memory_space<hbm>> -> memref<40x1000xf32, #tpu.memory_space<hbm>>
    tpu.enqueue_dma source(%arg6 : memref<40x1000xf32, #tpu.memory_space<vmem>>) target(%dma_start3A_101 : memref<40x1000xf32, #tpu.memory_space<hbm>>) target_semaphore(%arg10 : memref<!tpu.dma_semaphore, #tpu.memory_space<semaphore_mem>>)
    %dma_wait3A_102 = arith.constant 0 : i32
    %dma_wait3A_103 = tpu.memref_slice %arg4[%add3A_97, %dma_wait3A_102] : memref<20480x1000xf32, #tpu.memory_space<hbm>> -> memref<40x1000xf32, #tpu.memory_space<hbm>>
    %dma_wait3A_104 = arith.constant 0 : i32
    %dma_wait3A_105 = tpu.memref_slice %arg4[%add3A_97, %dma_wait3A_104] : memref<20480x1000xf32, #tpu.memory_space<hbm>> -> memref<40x1000xf32, #tpu.memory_space<hbm>>
    tpu.wait_dma2 semaphore(%arg10 : memref<!tpu.dma_semaphore, #tpu.memory_space<semaphore_mem>>) src(%arg6 : memref<40x1000xf32, #tpu.memory_space<vmem>>) dst(%dma_wait3A_105 : memref<40x1000xf32, #tpu.memory_space<hbm>>)
    %dma_start3A_106 = arith.constant 240 : i32
    %dma_start3A_107 = tpu.memref_slice %arg5[%dma_start3A_106] : memref<640xi32, #tpu.memory_space<vmem>> -> memref<40xi32, #tpu.memory_space<vmem>>
    %dma_start3A_108 = arith.constant 0 : i32
    %dma_start3A_109 = arith.constant 0 : i32
    %dma_start3A_110 = tpu.memref_slice %arg2[%dma_start3A_108, %dma_start3A_109] : memref<1000x1000xf32, #tpu.memory_space<hbm>> -> memref<1000x1000xf32, #tpu.memory_space<hbm>>
    tpu.enqueue_indirect_dma source(%dma_start3A_110 : memref<1000x1000xf32, #tpu.memory_space<hbm>>) target(%arg6 : memref<40x1000xf32, #tpu.memory_space<vmem>>) offsets(%dma_start3A_107 : memref<40xi32, #tpu.memory_space<vmem>>) semaphore(%arg8 : memref<!tpu.dma_semaphore, #tpu.memory_space<semaphore_mem>>)
    %dma_wait3A_111 = arith.constant 200 : i32
    %dma_wait3A_112 = tpu.memref_slice %arg5[%dma_wait3A_111] : memref<640xi32, #tpu.memory_space<vmem>> -> memref<40xi32, #tpu.memory_space<vmem>>
    %dma_wait3A_113 = arith.constant 0 : i32
    %dma_wait3A_114 = arith.constant 0 : i32
    %dma_wait3A_115 = tpu.memref_slice %arg2[%dma_wait3A_113, %dma_wait3A_114] : memref<1000x1000xf32, #tpu.memory_space<hbm>> -> memref<1000x1000xf32, #tpu.memory_space<hbm>>
    tpu.wait_indirect_dma semaphore(%arg9 : memref<!tpu.dma_semaphore, #tpu.memory_space<semaphore_mem>>) src(%dma_wait3A_115 : memref<1000x1000xf32, #tpu.memory_space<hbm>>) dst(%arg7 : memref<40x1000xf32, #tpu.memory_space<vmem>>)
    %add3A_116 = arith.constant 200 : i32
    %add3A_117 = arith.addi %mul3A_2, %add3A_116 : i32
    %dma_start3A_118 = arith.constant 0 : i32
    %dma_start3A_119 = tpu.memref_slice %arg4[%add3A_117, %dma_start3A_118] : memref<20480x1000xf32, #tpu.memory_space<hbm>> -> memref<40x1000xf32, #tpu.memory_space<hbm>>
    %dma_start3A_120 = arith.constant 0 : i32
    %dma_start3A_121 = tpu.memref_slice %arg4[%add3A_117, %dma_start3A_120] : memref<20480x1000xf32, #tpu.memory_space<hbm>> -> memref<40x1000xf32, #tpu.memory_space<hbm>>
    tpu.enqueue_dma source(%arg7 : memref<40x1000xf32, #tpu.memory_space<vmem>>) target(%dma_start3A_121 : memref<40x1000xf32, #tpu.memory_space<hbm>>) target_semaphore(%arg11 : memref<!tpu.dma_semaphore, #tpu.memory_space<semaphore_mem>>)
    %dma_wait3A_122 = arith.constant 0 : i32
    %dma_wait3A_123 = tpu.memref_slice %arg4[%add3A_117, %dma_wait3A_122] : memref<20480x1000xf32, #tpu.memory_space<hbm>> -> memref<40x1000xf32, #tpu.memory_space<hbm>>
    %dma_wait3A_124 = arith.constant 0 : i32
    %dma_wait3A_125 = tpu.memref_slice %arg4[%add3A_117, %dma_wait3A_124] : memref<20480x1000xf32, #tpu.memory_space<hbm>> -> memref<40x1000xf32, #tpu.memory_space<hbm>>
    tpu.wait_dma2 semaphore(%arg11 : memref<!tpu.dma_semaphore, #tpu.memory_space<semaphore_mem>>) src(%arg7 : memref<40x1000xf32, #tpu.memory_space<vmem>>) dst(%dma_wait3A_125 : memref<40x1000xf32, #tpu.memory_space<hbm>>)
    %dma_start3A_126 = arith.constant 280 : i32
    %dma_start3A_127 = tpu.memref_slice %arg5[%dma_start3A_126] : memref<640xi32, #tpu.memory_space<vmem>> -> memref<40xi32, #tpu.memory_space<vmem>>
    %dma_start3A_128 = arith.constant 0 : i32
    %dma_start3A_129 = arith.constant 0 : i32
    %dma_start3A_130 = tpu.memref_slice %arg2[%dma_start3A_128, %dma_start3A_129] : memref<1000x1000xf32, #tpu.memory_space<hbm>> -> memref<1000x1000xf32, #tpu.memory_space<hbm>>
    tpu.enqueue_indirect_dma source(%dma_start3A_130 : memref<1000x1000xf32, #tpu.memory_space<hbm>>) target(%arg7 : memref<40x1000xf32, #tpu.memory_space<vmem>>) offsets(%dma_start3A_127 : memref<40xi32, #tpu.memory_space<vmem>>) semaphore(%arg9 : memref<!tpu.dma_semaphore, #tpu.memory_space<semaphore_mem>>)
    %dma_wait3A_131 = arith.constant 240 : i32
    %dma_wait3A_132 = tpu.memref_slice %arg5[%dma_wait3A_131] : memref<640xi32, #tpu.memory_space<vmem>> -> memref<40xi32, #tpu.memory_space<vmem>>
    %dma_wait3A_133 = arith.constant 0 : i32
    %dma_wait3A_134 = arith.constant 0 : i32
    %dma_wait3A_135 = tpu.memref_slice %arg2[%dma_wait3A_133, %dma_wait3A_134] : memref<1000x1000xf32, #tpu.memory_space<hbm>> -> memref<1000x1000xf32, #tpu.memory_space<hbm>>
    tpu.wait_indirect_dma semaphore(%arg8 : memref<!tpu.dma_semaphore, #tpu.memory_space<semaphore_mem>>) src(%dma_wait3A_135 : memref<1000x1000xf32, #tpu.memory_space<hbm>>) dst(%arg6 : memref<40x1000xf32, #tpu.memory_space<vmem>>)
    %add3A_136 = arith.constant 240 : i32
    %add3A_137 = arith.addi %mul3A_2, %add3A_136 : i32
    %dma_start3A_138 = arith.constant 0 : i32
    %dma_start3A_139 = tpu.memref_slice %arg4[%add3A_137, %dma_start3A_138] : memref<20480x1000xf32, #tpu.memory_space<hbm>> -> memref<40x1000xf32, #tpu.memory_space<hbm>>
    %dma_start3A_140 = arith.constant 0 : i32
    %dma_start3A_141 = tpu.memref_slice %arg4[%add3A_137, %dma_start3A_140] : memref<20480x1000xf32, #tpu.memory_space<hbm>> -> memref<40x1000xf32, #tpu.memory_space<hbm>>
    tpu.enqueue_dma source(%arg6 : memref<40x1000xf32, #tpu.memory_space<vmem>>) target(%dma_start3A_141 : memref<40x1000xf32, #tpu.memory_space<hbm>>) target_semaphore(%arg10 : memref<!tpu.dma_semaphore, #tpu.memory_space<semaphore_mem>>)
    %dma_wait3A_142 = arith.constant 0 : i32
    %dma_wait3A_143 = tpu.memref_slice %arg4[%add3A_137, %dma_wait3A_142] : memref<20480x1000xf32, #tpu.memory_space<hbm>> -> memref<40x1000xf32, #tpu.memory_space<hbm>>
    %dma_wait3A_144 = arith.constant 0 : i32
    %dma_wait3A_145 = tpu.memref_slice %arg4[%add3A_137, %dma_wait3A_144] : memref<20480x1000xf32, #tpu.memory_space<hbm>> -> memref<40x1000xf32, #tpu.memory_space<hbm>>
    tpu.wait_dma2 semaphore(%arg10 : memref<!tpu.dma_semaphore, #tpu.memory_space<semaphore_mem>>) src(%arg6 : memref<40x1000xf32, #tpu.memory_space<vmem>>) dst(%dma_wait3A_145 : memref<40x1000xf32, #tpu.memory_space<hbm>>)
    %dma_start3A_146 = arith.constant 320 : i32
    %dma_start3A_147 = tpu.memref_slice %arg5[%dma_start3A_146] : memref<640xi32, #tpu.memory_space<vmem>> -> memref<40xi32, #tpu.memory_space<vmem>>
    %dma_start3A_148 = arith.constant 0 : i32
    %dma_start3A_149 = arith.constant 0 : i32
    %dma_start3A_150 = tpu.memref_slice %arg2[%dma_start3A_148, %dma_start3A_149] : memref<1000x1000xf32, #tpu.memory_space<hbm>> -> memref<1000x1000xf32, #tpu.memory_space<hbm>>
    tpu.enqueue_indirect_dma source(%dma_start3A_150 : memref<1000x1000xf32, #tpu.memory_space<hbm>>) target(%arg6 : memref<40x1000xf32, #tpu.memory_space<vmem>>) offsets(%dma_start3A_147 : memref<40xi32, #tpu.memory_space<vmem>>) semaphore(%arg8 : memref<!tpu.dma_semaphore, #tpu.memory_space<semaphore_mem>>)
    %dma_wait3A_151 = arith.constant 280 : i32
    %dma_wait3A_152 = tpu.memref_slice %arg5[%dma_wait3A_151] : memref<640xi32, #tpu.memory_space<vmem>> -> memref<40xi32, #tpu.memory_space<vmem>>
    %dma_wait3A_153 = arith.constant 0 : i32
    %dma_wait3A_154 = arith.constant 0 : i32
    %dma_wait3A_155 = tpu.memref_slice %arg2[%dma_wait3A_153, %dma_wait3A_154] : memref<1000x1000xf32, #tpu.memory_space<hbm>> -> memref<1000x1000xf32, #tpu.memory_space<hbm>>
    tpu.wait_indirect_dma semaphore(%arg9 : memref<!tpu.dma_semaphore, #tpu.memory_space<semaphore_mem>>) src(%dma_wait3A_155 : memref<1000x1000xf32, #tpu.memory_space<hbm>>) dst(%arg7 : memref<40x1000xf32, #tpu.memory_space<vmem>>)
    %add3A_156 = arith.constant 280 : i32
    %add3A_157 = arith.addi %mul3A_2, %add3A_156 : i32
    %dma_start3A_158 = arith.constant 0 : i32
    %dma_start3A_159 = tpu.memref_slice %arg4[%add3A_157, %dma_start3A_158] : memref<20480x1000xf32, #tpu.memory_space<hbm>> -> memref<40x1000xf32, #tpu.memory_space<hbm>>
    %dma_start3A_160 = arith.constant 0 : i32
    %dma_start3A_161 = tpu.memref_slice %arg4[%add3A_157, %dma_start3A_160] : memref<20480x1000xf32, #tpu.memory_space<hbm>> -> memref<40x1000xf32, #tpu.memory_space<hbm>>
    tpu.enqueue_dma source(%arg7 : memref<40x1000xf32, #tpu.memory_space<vmem>>) target(%dma_start3A_161 : memref<40x1000xf32, #tpu.memory_space<hbm>>) target_semaphore(%arg11 : memref<!tpu.dma_semaphore, #tpu.memory_space<semaphore_mem>>)
    %dma_wait3A_162 = arith.constant 0 : i32
    %dma_wait3A_163 = tpu.memref_slice %arg4[%add3A_157, %dma_wait3A_162] : memref<20480x1000xf32, #tpu.memory_space<hbm>> -> memref<40x1000xf32, #tpu.memory_space<hbm>>
    %dma_wait3A_164 = arith.constant 0 : i32
    %dma_wait3A_165 = tpu.memref_slice %arg4[%add3A_157, %dma_wait3A_164] : memref<20480x1000xf32, #tpu.memory_space<hbm>> -> memref<40x1000xf32, #tpu.memory_space<hbm>>
    tpu.wait_dma2 semaphore(%arg11 : memref<!tpu.dma_semaphore, #tpu.memory_space<semaphore_mem>>) src(%arg7 : memref<40x1000xf32, #tpu.memory_space<vmem>>) dst(%dma_wait3A_165 : memref<40x1000xf32, #tpu.memory_space<hbm>>)
    %dma_start3A_166 = arith.constant 360 : i32
    %dma_start3A_167 = tpu.memref_slice %arg5[%dma_start3A_166] : memref<640xi32, #tpu.memory_space<vmem>> -> memref<40xi32, #tpu.memory_space<vmem>>
    %dma_start3A_168 = arith.constant 0 : i32
    %dma_start3A_169 = arith.constant 0 : i32
    %dma_start3A_170 = tpu.memref_slice %arg2[%dma_start3A_168, %dma_start3A_169] : memref<1000x1000xf32, #tpu.memory_space<hbm>> -> memref<1000x1000xf32, #tpu.memory_space<hbm>>
    tpu.enqueue_indirect_dma source(%dma_start3A_170 : memref<1000x1000xf32, #tpu.memory_space<hbm>>) target(%arg7 : memref<40x1000xf32, #tpu.memory_space<vmem>>) offsets(%dma_start3A_167 : memref<40xi32, #tpu.memory_space<vmem>>) semaphore(%arg9 : memref<!tpu.dma_semaphore, #tpu.memory_space<semaphore_mem>>)
    %dma_wait3A_171 = arith.constant 320 : i32
    %dma_wait3A_172 = tpu.memref_slice %arg5[%dma_wait3A_171] : memref<640xi32, #tpu.memory_space<vmem>> -> memref<40xi32, #tpu.memory_space<vmem>>
    %dma_wait3A_173 = arith.constant 0 : i32
    %dma_wait3A_174 = arith.constant 0 : i32
    %dma_wait3A_175 = tpu.memref_slice %arg2[%dma_wait3A_173, %dma_wait3A_174] : memref<1000x1000xf32, #tpu.memory_space<hbm>> -> memref<1000x1000xf32, #tpu.memory_space<hbm>>
    tpu.wait_indirect_dma semaphore(%arg8 : memref<!tpu.dma_semaphore, #tpu.memory_space<semaphore_mem>>) src(%dma_wait3A_175 : memref<1000x1000xf32, #tpu.memory_space<hbm>>) dst(%arg6 : memref<40x1000xf32, #tpu.memory_space<vmem>>)
    %add3A_176 = arith.constant 320 : i32
    %add3A_177 = arith.addi %mul3A_2, %add3A_176 : i32
    %dma_start3A_178 = arith.constant 0 : i32
    %dma_start3A_179 = tpu.memref_slice %arg4[%add3A_177, %dma_start3A_178] : memref<20480x1000xf32, #tpu.memory_space<hbm>> -> memref<40x1000xf32, #tpu.memory_space<hbm>>
    %dma_start3A_180 = arith.constant 0 : i32
    %dma_start3A_181 = tpu.memref_slice %arg4[%add3A_177, %dma_start3A_180] : memref<20480x1000xf32, #tpu.memory_space<hbm>> -> memref<40x1000xf32, #tpu.memory_space<hbm>>
    tpu.enqueue_dma source(%arg6 : memref<40x1000xf32, #tpu.memory_space<vmem>>) target(%dma_start3A_181 : memref<40x1000xf32, #tpu.memory_space<hbm>>) target_semaphore(%arg10 : memref<!tpu.dma_semaphore, #tpu.memory_space<semaphore_mem>>)
    %dma_wait3A_182 = arith.constant 0 : i32
    %dma_wait3A_183 = tpu.memref_slice %arg4[%add3A_177, %dma_wait3A_182] : memref<20480x1000xf32, #tpu.memory_space<hbm>> -> memref<40x1000xf32, #tpu.memory_space<hbm>>
    %dma_wait3A_184 = arith.constant 0 : i32
    %dma_wait3A_185 = tpu.memref_slice %arg4[%add3A_177, %dma_wait3A_184] : memref<20480x1000xf32, #tpu.memory_space<hbm>> -> memref<40x1000xf32, #tpu.memory_space<hbm>>
    tpu.wait_dma2 semaphore(%arg10 : memref<!tpu.dma_semaphore, #tpu.memory_space<semaphore_mem>>) src(%arg6 : memref<40x1000xf32, #tpu.memory_space<vmem>>) dst(%dma_wait3A_185 : memref<40x1000xf32, #tpu.memory_space<hbm>>)
    %dma_start3A_186 = arith.constant 400 : i32
    %dma_start3A_187 = tpu.memref_slice %arg5[%dma_start3A_186] : memref<640xi32, #tpu.memory_space<vmem>> -> memref<40xi32, #tpu.memory_space<vmem>>
    %dma_start3A_188 = arith.constant 0 : i32
    %dma_start3A_189 = arith.constant 0 : i32
    %dma_start3A_190 = tpu.memref_slice %arg2[%dma_start3A_188, %dma_start3A_189] : memref<1000x1000xf32, #tpu.memory_space<hbm>> -> memref<1000x1000xf32, #tpu.memory_space<hbm>>
    tpu.enqueue_indirect_dma source(%dma_start3A_190 : memref<1000x1000xf32, #tpu.memory_space<hbm>>) target(%arg6 : memref<40x1000xf32, #tpu.memory_space<vmem>>) offsets(%dma_start3A_187 : memref<40xi32, #tpu.memory_space<vmem>>) semaphore(%arg8 : memref<!tpu.dma_semaphore, #tpu.memory_space<semaphore_mem>>)
    %dma_wait3A_191 = arith.constant 360 : i32
    %dma_wait3A_192 = tpu.memref_slice %arg5[%dma_wait3A_191] : memref<640xi32, #tpu.memory_space<vmem>> -> memref<40xi32, #tpu.memory_space<vmem>>
    %dma_wait3A_193 = arith.constant 0 : i32
    %dma_wait3A_194 = arith.constant 0 : i32
    %dma_wait3A_195 = tpu.memref_slice %arg2[%dma_wait3A_193, %dma_wait3A_194] : memref<1000x1000xf32, #tpu.memory_space<hbm>> -> memref<1000x1000xf32, #tpu.memory_space<hbm>>
    tpu.wait_indirect_dma semaphore(%arg9 : memref<!tpu.dma_semaphore, #tpu.memory_space<semaphore_mem>>) src(%dma_wait3A_195 : memref<1000x1000xf32, #tpu.memory_space<hbm>>) dst(%arg7 : memref<40x1000xf32, #tpu.memory_space<vmem>>)
    %add3A_196 = arith.constant 360 : i32
    %add3A_197 = arith.addi %mul3A_2, %add3A_196 : i32
    %dma_start3A_198 = arith.constant 0 : i32
    %dma_start3A_199 = tpu.memref_slice %arg4[%add3A_197, %dma_start3A_198] : memref<20480x1000xf32, #tpu.memory_space<hbm>> -> memref<40x1000xf32, #tpu.memory_space<hbm>>
    %dma_start3A_200 = arith.constant 0 : i32
    %dma_start3A_201 = tpu.memref_slice %arg4[%add3A_197, %dma_start3A_200] : memref<20480x1000xf32, #tpu.memory_space<hbm>> -> memref<40x1000xf32, #tpu.memory_space<hbm>>
    tpu.enqueue_dma source(%arg7 : memref<40x1000xf32, #tpu.memory_space<vmem>>) target(%dma_start3A_201 : memref<40x1000xf32, #tpu.memory_space<hbm>>) target_semaphore(%arg11 : memref<!tpu.dma_semaphore, #tpu.memory_space<semaphore_mem>>)
    %dma_wait3A_202 = arith.constant 0 : i32
    %dma_wait3A_203 = tpu.memref_slice %arg4[%add3A_197, %dma_wait3A_202] : memref<20480x1000xf32, #tpu.memory_space<hbm>> -> memref<40x1000xf32, #tpu.memory_space<hbm>>
    %dma_wait3A_204 = arith.constant 0 : i32
    %dma_wait3A_205 = tpu.memref_slice %arg4[%add3A_197, %dma_wait3A_204] : memref<20480x1000xf32, #tpu.memory_space<hbm>> -> memref<40x1000xf32, #tpu.memory_space<hbm>>
    tpu.wait_dma2 semaphore(%arg11 : memref<!tpu.dma_semaphore, #tpu.memory_space<semaphore_mem>>) src(%arg7 : memref<40x1000xf32, #tpu.memory_space<vmem>>) dst(%dma_wait3A_205 : memref<40x1000xf32, #tpu.memory_space<hbm>>)
    %dma_start3A_206 = arith.constant 440 : i32
    %dma_start3A_207 = tpu.memref_slice %arg5[%dma_start3A_206] : memref<640xi32, #tpu.memory_space<vmem>> -> memref<40xi32, #tpu.memory_space<vmem>>
    %dma_start3A_208 = arith.constant 0 : i32
    %dma_start3A_209 = arith.constant 0 : i32
    %dma_start3A_210 = tpu.memref_slice %arg2[%dma_start3A_208, %dma_start3A_209] : memref<1000x1000xf32, #tpu.memory_space<hbm>> -> memref<1000x1000xf32, #tpu.memory_space<hbm>>
    tpu.enqueue_indirect_dma source(%dma_start3A_210 : memref<1000x1000xf32, #tpu.memory_space<hbm>>) target(%arg7 : memref<40x1000xf32, #tpu.memory_space<vmem>>) offsets(%dma_start3A_207 : memref<40xi32, #tpu.memory_space<vmem>>) semaphore(%arg9 : memref<!tpu.dma_semaphore, #tpu.memory_space<semaphore_mem>>)
    %dma_wait3A_211 = arith.constant 400 : i32
    %dma_wait3A_212 = tpu.memref_slice %arg5[%dma_wait3A_211] : memref<640xi32, #tpu.memory_space<vmem>> -> memref<40xi32, #tpu.memory_space<vmem>>
    %dma_wait3A_213 = arith.constant 0 : i32
    %dma_wait3A_214 = arith.constant 0 : i32
    %dma_wait3A_215 = tpu.memref_slice %arg2[%dma_wait3A_213, %dma_wait3A_214] : memref<1000x1000xf32, #tpu.memory_space<hbm>> -> memref<1000x1000xf32, #tpu.memory_space<hbm>>
    tpu.wait_indirect_dma semaphore(%arg8 : memref<!tpu.dma_semaphore, #tpu.memory_space<semaphore_mem>>) src(%dma_wait3A_215 : memref<1000x1000xf32, #tpu.memory_space<hbm>>) dst(%arg6 : memref<40x1000xf32, #tpu.memory_space<vmem>>)
    %add3A_216 = arith.constant 400 : i32
    %add3A_217 = arith.addi %mul3A_2, %add3A_216 : i32
    %dma_start3A_218 = arith.constant 0 : i32
    %dma_start3A_219 = tpu.memref_slice %arg4[%add3A_217, %dma_start3A_218] : memref<20480x1000xf32, #tpu.memory_space<hbm>> -> memref<40x1000xf32, #tpu.memory_space<hbm>>
    %dma_start3A_220 = arith.constant 0 : i32
    %dma_start3A_221 = tpu.memref_slice %arg4[%add3A_217, %dma_start3A_220] : memref<20480x1000xf32, #tpu.memory_space<hbm>> -> memref<40x1000xf32, #tpu.memory_space<hbm>>
    tpu.enqueue_dma source(%arg6 : memref<40x1000xf32, #tpu.memory_space<vmem>>) target(%dma_start3A_221 : memref<40x1000xf32, #tpu.memory_space<hbm>>) target_semaphore(%arg10 : memref<!tpu.dma_semaphore, #tpu.memory_space<semaphore_mem>>)
    %dma_wait3A_222 = arith.constant 0 : i32
    %dma_wait3A_223 = tpu.memref_slice %arg4[%add3A_217, %dma_wait3A_222] : memref<20480x1000xf32, #tpu.memory_space<hbm>> -> memref<40x1000xf32, #tpu.memory_space<hbm>>
    %dma_wait3A_224 = arith.constant 0 : i32
    %dma_wait3A_225 = tpu.memref_slice %arg4[%add3A_217, %dma_wait3A_224] : memref<20480x1000xf32, #tpu.memory_space<hbm>> -> memref<40x1000xf32, #tpu.memory_space<hbm>>
    tpu.wait_dma2 semaphore(%arg10 : memref<!tpu.dma_semaphore, #tpu.memory_space<semaphore_mem>>) src(%arg6 : memref<40x1000xf32, #tpu.memory_space<vmem>>) dst(%dma_wait3A_225 : memref<40x1000xf32, #tpu.memory_space<hbm>>)
    %dma_start3A_226 = arith.constant 480 : i32
    %dma_start3A_227 = tpu.memref_slice %arg5[%dma_start3A_226] : memref<640xi32, #tpu.memory_space<vmem>> -> memref<40xi32, #tpu.memory_space<vmem>>
    %dma_start3A_228 = arith.constant 0 : i32
    %dma_start3A_229 = arith.constant 0 : i32
    %dma_start3A_230 = tpu.memref_slice %arg2[%dma_start3A_228, %dma_start3A_229] : memref<1000x1000xf32, #tpu.memory_space<hbm>> -> memref<1000x1000xf32, #tpu.memory_space<hbm>>
    tpu.enqueue_indirect_dma source(%dma_start3A_230 : memref<1000x1000xf32, #tpu.memory_space<hbm>>) target(%arg6 : memref<40x1000xf32, #tpu.memory_space<vmem>>) offsets(%dma_start3A_227 : memref<40xi32, #tpu.memory_space<vmem>>) semaphore(%arg8 : memref<!tpu.dma_semaphore, #tpu.memory_space<semaphore_mem>>)
    %dma_wait3A_231 = arith.constant 440 : i32
    %dma_wait3A_232 = tpu.memref_slice %arg5[%dma_wait3A_231] : memref<640xi32, #tpu.memory_space<vmem>> -> memref<40xi32, #tpu.memory_space<vmem>>
    %dma_wait3A_233 = arith.constant 0 : i32
    %dma_wait3A_234 = arith.constant 0 : i32
    %dma_wait3A_235 = tpu.memref_slice %arg2[%dma_wait3A_233, %dma_wait3A_234] : memref<1000x1000xf32, #tpu.memory_space<hbm>> -> memref<1000x1000xf32, #tpu.memory_space<hbm>>
    tpu.wait_indirect_dma semaphore(%arg9 : memref<!tpu.dma_semaphore, #tpu.memory_space<semaphore_mem>>) src(%dma_wait3A_235 : memref<1000x1000xf32, #tpu.memory_space<hbm>>) dst(%arg7 : memref<40x1000xf32, #tpu.memory_space<vmem>>)
    %add3A_236 = arith.constant 440 : i32
    %add3A_237 = arith.addi %mul3A_2, %add3A_236 : i32
    %dma_start3A_238 = arith.constant 0 : i32
    %dma_start3A_239 = tpu.memref_slice %arg4[%add3A_237, %dma_start3A_238] : memref<20480x1000xf32, #tpu.memory_space<hbm>> -> memref<40x1000xf32, #tpu.memory_space<hbm>>
    %dma_start3A_240 = arith.constant 0 : i32
    %dma_start3A_241 = tpu.memref_slice %arg4[%add3A_237, %dma_start3A_240] : memref<20480x1000xf32, #tpu.memory_space<hbm>> -> memref<40x1000xf32, #tpu.memory_space<hbm>>
    tpu.enqueue_dma source(%arg7 : memref<40x1000xf32, #tpu.memory_space<vmem>>) target(%dma_start3A_241 : memref<40x1000xf32, #tpu.memory_space<hbm>>) target_semaphore(%arg11 : memref<!tpu.dma_semaphore, #tpu.memory_space<semaphore_mem>>)
    %dma_wait3A_242 = arith.constant 0 : i32
    %dma_wait3A_243 = tpu.memref_slice %arg4[%add3A_237, %dma_wait3A_242] : memref<20480x1000xf32, #tpu.memory_space<hbm>> -> memref<40x1000xf32, #tpu.memory_space<hbm>>
    %dma_wait3A_244 = arith.constant 0 : i32
    %dma_wait3A_245 = tpu.memref_slice %arg4[%add3A_237, %dma_wait3A_244] : memref<20480x1000xf32, #tpu.memory_space<hbm>> -> memref<40x1000xf32, #tpu.memory_space<hbm>>
    tpu.wait_dma2 semaphore(%arg11 : memref<!tpu.dma_semaphore, #tpu.memory_space<semaphore_mem>>) src(%arg7 : memref<40x1000xf32, #tpu.memory_space<vmem>>) dst(%dma_wait3A_245 : memref<40x1000xf32, #tpu.memory_space<hbm>>)
    %dma_start3A_246 = arith.constant 520 : i32
    %dma_start3A_247 = tpu.memref_slice %arg5[%dma_start3A_246] : memref<640xi32, #tpu.memory_space<vmem>> -> memref<40xi32, #tpu.memory_space<vmem>>
    %dma_start3A_248 = arith.constant 0 : i32
    %dma_start3A_249 = arith.constant 0 : i32
    %dma_start3A_250 = tpu.memref_slice %arg2[%dma_start3A_248, %dma_start3A_249] : memref<1000x1000xf32, #tpu.memory_space<hbm>> -> memref<1000x1000xf32, #tpu.memory_space<hbm>>
    tpu.enqueue_indirect_dma source(%dma_start3A_250 : memref<1000x1000xf32, #tpu.memory_space<hbm>>) target(%arg7 : memref<40x1000xf32, #tpu.memory_space<vmem>>) offsets(%dma_start3A_247 : memref<40xi32, #tpu.memory_space<vmem>>) semaphore(%arg9 : memref<!tpu.dma_semaphore, #tpu.memory_space<semaphore_mem>>)
    %dma_wait3A_251 = arith.constant 480 : i32
    %dma_wait3A_252 = tpu.memref_slice %arg5[%dma_wait3A_251] : memref<640xi32, #tpu.memory_space<vmem>> -> memref<40xi32, #tpu.memory_space<vmem>>
    %dma_wait3A_253 = arith.constant 0 : i32
    %dma_wait3A_254 = arith.constant 0 : i32
    %dma_wait3A_255 = tpu.memref_slice %arg2[%dma_wait3A_253, %dma_wait3A_254] : memref<1000x1000xf32, #tpu.memory_space<hbm>> -> memref<1000x1000xf32, #tpu.memory_space<hbm>>
    tpu.wait_indirect_dma semaphore(%arg8 : memref<!tpu.dma_semaphore, #tpu.memory_space<semaphore_mem>>) src(%dma_wait3A_255 : memref<1000x1000xf32, #tpu.memory_space<hbm>>) dst(%arg6 : memref<40x1000xf32, #tpu.memory_space<vmem>>)
    %add3A_256 = arith.constant 480 : i32
    %add3A_257 = arith.addi %mul3A_2, %add3A_256 : i32
    %dma_start3A_258 = arith.constant 0 : i32
    %dma_start3A_259 = tpu.memref_slice %arg4[%add3A_257, %dma_start3A_258] : memref<20480x1000xf32, #tpu.memory_space<hbm>> -> memref<40x1000xf32, #tpu.memory_space<hbm>>
    %dma_start3A_260 = arith.constant 0 : i32
    %dma_start3A_261 = tpu.memref_slice %arg4[%add3A_257, %dma_start3A_260] : memref<20480x1000xf32, #tpu.memory_space<hbm>> -> memref<40x1000xf32, #tpu.memory_space<hbm>>
    tpu.enqueue_dma source(%arg6 : memref<40x1000xf32, #tpu.memory_space<vmem>>) target(%dma_start3A_261 : memref<40x1000xf32, #tpu.memory_space<hbm>>) target_semaphore(%arg10 : memref<!tpu.dma_semaphore, #tpu.memory_space<semaphore_mem>>)
    %dma_wait3A_262 = arith.constant 0 : i32
    %dma_wait3A_263 = tpu.memref_slice %arg4[%add3A_257, %dma_wait3A_262] : memref<20480x1000xf32, #tpu.memory_space<hbm>> -> memref<40x1000xf32, #tpu.memory_space<hbm>>
    %dma_wait3A_264 = arith.constant 0 : i32
    %dma_wait3A_265 = tpu.memref_slice %arg4[%add3A_257, %dma_wait3A_264] : memref<20480x1000xf32, #tpu.memory_space<hbm>> -> memref<40x1000xf32, #tpu.memory_space<hbm>>
    tpu.wait_dma2 semaphore(%arg10 : memref<!tpu.dma_semaphore, #tpu.memory_space<semaphore_mem>>) src(%arg6 : memref<40x1000xf32, #tpu.memory_space<vmem>>) dst(%dma_wait3A_265 : memref<40x1000xf32, #tpu.memory_space<hbm>>)
    %dma_start3A_266 = arith.constant 560 : i32
    %dma_start3A_267 = tpu.memref_slice %arg5[%dma_start3A_266] : memref<640xi32, #tpu.memory_space<vmem>> -> memref<40xi32, #tpu.memory_space<vmem>>
    %dma_start3A_268 = arith.constant 0 : i32
    %dma_start3A_269 = arith.constant 0 : i32
    %dma_start3A_270 = tpu.memref_slice %arg2[%dma_start3A_268, %dma_start3A_269] : memref<1000x1000xf32, #tpu.memory_space<hbm>> -> memref<1000x1000xf32, #tpu.memory_space<hbm>>
    tpu.enqueue_indirect_dma source(%dma_start3A_270 : memref<1000x1000xf32, #tpu.memory_space<hbm>>) target(%arg6 : memref<40x1000xf32, #tpu.memory_space<vmem>>) offsets(%dma_start3A_267 : memref<40xi32, #tpu.memory_space<vmem>>) semaphore(%arg8 : memref<!tpu.dma_semaphore, #tpu.memory_space<semaphore_mem>>)
    %dma_wait3A_271 = arith.constant 520 : i32
    %dma_wait3A_272 = tpu.memref_slice %arg5[%dma_wait3A_271] : memref<640xi32, #tpu.memory_space<vmem>> -> memref<40xi32, #tpu.memory_space<vmem>>
    %dma_wait3A_273 = arith.constant 0 : i32
    %dma_wait3A_274 = arith.constant 0 : i32
    %dma_wait3A_275 = tpu.memref_slice %arg2[%dma_wait3A_273, %dma_wait3A_274] : memref<1000x1000xf32, #tpu.memory_space<hbm>> -> memref<1000x1000xf32, #tpu.memory_space<hbm>>
    tpu.wait_indirect_dma semaphore(%arg9 : memref<!tpu.dma_semaphore, #tpu.memory_space<semaphore_mem>>) src(%dma_wait3A_275 : memref<1000x1000xf32, #tpu.memory_space<hbm>>) dst(%arg7 : memref<40x1000xf32, #tpu.memory_space<vmem>>)
    %add3A_276 = arith.constant 520 : i32
    %add3A_277 = arith.addi %mul3A_2, %add3A_276 : i32
    %dma_start3A_278 = arith.constant 0 : i32
    %dma_start3A_279 = tpu.memref_slice %arg4[%add3A_277, %dma_start3A_278] : memref<20480x1000xf32, #tpu.memory_space<hbm>> -> memref<40x1000xf32, #tpu.memory_space<hbm>>
    %dma_start3A_280 = arith.constant 0 : i32
    %dma_start3A_281 = tpu.memref_slice %arg4[%add3A_277, %dma_start3A_280] : memref<20480x1000xf32, #tpu.memory_space<hbm>> -> memref<40x1000xf32, #tpu.memory_space<hbm>>
    tpu.enqueue_dma source(%arg7 : memref<40x1000xf32, #tpu.memory_space<vmem>>) target(%dma_start3A_281 : memref<40x1000xf32, #tpu.memory_space<hbm>>) target_semaphore(%arg11 : memref<!tpu.dma_semaphore, #tpu.memory_space<semaphore_mem>>)
    %dma_wait3A_282 = arith.constant 0 : i32
    %dma_wait3A_283 = tpu.memref_slice %arg4[%add3A_277, %dma_wait3A_282] : memref<20480x1000xf32, #tpu.memory_space<hbm>> -> memref<40x1000xf32, #tpu.memory_space<hbm>>
    %dma_wait3A_284 = arith.constant 0 : i32
    %dma_wait3A_285 = tpu.memref_slice %arg4[%add3A_277, %dma_wait3A_284] : memref<20480x1000xf32, #tpu.memory_space<hbm>> -> memref<40x1000xf32, #tpu.memory_space<hbm>>
    tpu.wait_dma2 semaphore(%arg11 : memref<!tpu.dma_semaphore, #tpu.memory_space<semaphore_mem>>) src(%arg7 : memref<40x1000xf32, #tpu.memory_space<vmem>>) dst(%dma_wait3A_285 : memref<40x1000xf32, #tpu.memory_space<hbm>>)
    %dma_start3A_286 = arith.constant 600 : i32
    %dma_start3A_287 = tpu.memref_slice %arg5[%dma_start3A_286] : memref<640xi32, #tpu.memory_space<vmem>> -> memref<40xi32, #tpu.memory_space<vmem>>
    %dma_start3A_288 = arith.constant 0 : i32
    %dma_start3A_289 = arith.constant 0 : i32
    %dma_start3A_290 = tpu.memref_slice %arg2[%dma_start3A_288, %dma_start3A_289] : memref<1000x1000xf32, #tpu.memory_space<hbm>> -> memref<1000x1000xf32, #tpu.memory_space<hbm>>
    tpu.enqueue_indirect_dma source(%dma_start3A_290 : memref<1000x1000xf32, #tpu.memory_space<hbm>>) target(%arg7 : memref<40x1000xf32, #tpu.memory_space<vmem>>) offsets(%dma_start3A_287 : memref<40xi32, #tpu.memory_space<vmem>>) semaphore(%arg9 : memref<!tpu.dma_semaphore, #tpu.memory_space<semaphore_mem>>)
    %dma_wait3A_291 = arith.constant 560 : i32
    %dma_wait3A_292 = tpu.memref_slice %arg5[%dma_wait3A_291] : memref<640xi32, #tpu.memory_space<vmem>> -> memref<40xi32, #tpu.memory_space<vmem>>
    %dma_wait3A_293 = arith.constant 0 : i32
    %dma_wait3A_294 = arith.constant 0 : i32
    %dma_wait3A_295 = tpu.memref_slice %arg2[%dma_wait3A_293, %dma_wait3A_294] : memref<1000x1000xf32, #tpu.memory_space<hbm>> -> memref<1000x1000xf32, #tpu.memory_space<hbm>>
    tpu.wait_indirect_dma semaphore(%arg8 : memref<!tpu.dma_semaphore, #tpu.memory_space<semaphore_mem>>) src(%dma_wait3A_295 : memref<1000x1000xf32, #tpu.memory_space<hbm>>) dst(%arg6 : memref<40x1000xf32, #tpu.memory_space<vmem>>)
    %add3A_296 = arith.constant 560 : i32
    %add3A_297 = arith.addi %mul3A_2, %add3A_296 : i32
    %dma_start3A_298 = arith.constant 0 : i32
    %dma_start3A_299 = tpu.memref_slice %arg4[%add3A_297, %dma_start3A_298] : memref<20480x1000xf32, #tpu.memory_space<hbm>> -> memref<40x1000xf32, #tpu.memory_space<hbm>>
    %dma_start3A_300 = arith.constant 0 : i32
    %dma_start3A_301 = tpu.memref_slice %arg4[%add3A_297, %dma_start3A_300] : memref<20480x1000xf32, #tpu.memory_space<hbm>> -> memref<40x1000xf32, #tpu.memory_space<hbm>>
    tpu.enqueue_dma source(%arg6 : memref<40x1000xf32, #tpu.memory_space<vmem>>) target(%dma_start3A_301 : memref<40x1000xf32, #tpu.memory_space<hbm>>) target_semaphore(%arg10 : memref<!tpu.dma_semaphore, #tpu.memory_space<semaphore_mem>>)
    %dma_wait3A_302 = arith.constant 0 : i32
    %dma_wait3A_303 = tpu.memref_slice %arg4[%add3A_297, %dma_wait3A_302] : memref<20480x1000xf32, #tpu.memory_space<hbm>> -> memref<40x1000xf32, #tpu.memory_space<hbm>>
    %dma_wait3A_304 = arith.constant 0 : i32
    %dma_wait3A_305 = tpu.memref_slice %arg4[%add3A_297, %dma_wait3A_304] : memref<20480x1000xf32, #tpu.memory_space<hbm>> -> memref<40x1000xf32, #tpu.memory_space<hbm>>
    tpu.wait_dma2 semaphore(%arg10 : memref<!tpu.dma_semaphore, #tpu.memory_space<semaphore_mem>>) src(%arg6 : memref<40x1000xf32, #tpu.memory_space<vmem>>) dst(%dma_wait3A_305 : memref<40x1000xf32, #tpu.memory_space<hbm>>)
    %dma_wait3A_306 = arith.constant 600 : i32
    %dma_wait3A_307 = tpu.memref_slice %arg5[%dma_wait3A_306] : memref<640xi32, #tpu.memory_space<vmem>> -> memref<40xi32, #tpu.memory_space<vmem>>
    %dma_wait3A_308 = arith.constant 0 : i32
    %dma_wait3A_309 = arith.constant 0 : i32
    %dma_wait3A_310 = tpu.memref_slice %arg2[%dma_wait3A_308, %dma_wait3A_309] : memref<1000x1000xf32, #tpu.memory_space<hbm>> -> memref<1000x1000xf32, #tpu.memory_space<hbm>>
    tpu.wait_indirect_dma semaphore(%arg9 : memref<!tpu.dma_semaphore, #tpu.memory_space<semaphore_mem>>) src(%dma_wait3A_310 : memref<1000x1000xf32, #tpu.memory_space<hbm>>) dst(%arg7 : memref<40x1000xf32, #tpu.memory_space<vmem>>)
    %add3A_311 = arith.constant 600 : i32
    %add3A_312 = arith.addi %mul3A_2, %add3A_311 : i32
    %dma_start3A_313 = arith.constant 0 : i32
    %dma_start3A_314 = tpu.memref_slice %arg4[%add3A_312, %dma_start3A_313] : memref<20480x1000xf32, #tpu.memory_space<hbm>> -> memref<40x1000xf32, #tpu.memory_space<hbm>>
    %dma_start3A_315 = arith.constant 0 : i32
    %dma_start3A_316 = tpu.memref_slice %arg4[%add3A_312, %dma_start3A_315] : memref<20480x1000xf32, #tpu.memory_space<hbm>> -> memref<40x1000xf32, #tpu.memory_space<hbm>>
    tpu.enqueue_dma source(%arg7 : memref<40x1000xf32, #tpu.memory_space<vmem>>) target(%dma_start3A_316 : memref<40x1000xf32, #tpu.memory_space<hbm>>) target_semaphore(%arg11 : memref<!tpu.dma_semaphore, #tpu.memory_space<semaphore_mem>>)
    %dma_wait3A_317 = arith.constant 0 : i32
    %dma_wait3A_318 = tpu.memref_slice %arg4[%add3A_312, %dma_wait3A_317] : memref<20480x1000xf32, #tpu.memory_space<hbm>> -> memref<40x1000xf32, #tpu.memory_space<hbm>>
    %dma_wait3A_319 = arith.constant 0 : i32
    %dma_wait3A_320 = tpu.memref_slice %arg4[%add3A_312, %dma_wait3A_319] : memref<20480x1000xf32, #tpu.memory_space<hbm>> -> memref<40x1000xf32, #tpu.memory_space<hbm>>
    tpu.wait_dma2 semaphore(%arg11 : memref<!tpu.dma_semaphore, #tpu.memory_space<semaphore_mem>>) src(%arg7 : memref<40x1000xf32, #tpu.memory_space<vmem>>) dst(%dma_wait3A_320 : memref<40x1000xf32, #tpu.memory_space<hbm>>)
    return
  }
}

</mosaic_0001>

<sc_bundles>
// kernel: kernel.3.cloned.1.call-start
scs
__scs_entry_jumppad:
0x0: {  	(pc) =	sbr.rel $0x88, $3  }
0x1: {  	(tag) =	ssettag $0x0;
	lr =	simm.s32 $0x1  }
0x2: {  	[smem:$0x3F9F] =	sst lr;
	_ =	strace $0xD0000000  }
0x3: {  	_ = 	snop  }
0x4: {  	_ = 	snop  }
0x5: {  	_ = 	snop  }
0x6: {  	_ = 	snop  }
0x7: {  	_ = 	snop  }
__scs_overlays_trampoline_lowered:
0x8: {  	[smem:$0x3FAE] =	sst s0  }
0x9: {  	[smem:$0x3FAF] =	sst s1  }
0xa: {  	[smem:$0x3FB0] =	sst s2  }
0xb: {  	[smem:$0x3FB1] =	sst s3  }
0xc: {  	[smem:$0x3FB2] =	sst s4  }
0xd: {  	[smem:$0x3FB3] =	sst s5  }
0xe: {  	[smem:$0x3FB4] =	sst s6  }
0xf: {  	[smem:$0x3FB5] =	sst s7  }
0x10: {  	[smem:$0x3FB6] =	sst s8  }
0x11: {  	[smem:$0x3FB7] =	sst s9;
	s0 =	simm.s32 @!p0 $0x0  }
0x12: {  	s1 =	sld [smem:$0x3F9D];
	s0 =	simm.s32 @p0 $0x1  }
0x13: {  	[smem:$0x3FB8] =	sst s0;
	s0 =	simm.s32 @!p1 $0x0  }
0x14: {  	s2 =	sld [smem:$0x3F9C];
	s0 =	simm.s32 @p1 $0x1  }
0x15: {  	[smem:$0x3FB9] =	sst s0;
	s0 =	simm.s32 @!p2 $0x0  }
0x16: {  	s3 =	sld [smem:$0x3FDB];
	s0 =	simm.s32 @p2 $0x1  }
0x17: {  	s4 =	simm.s32 $0x1BF5;
	[smem:$0x3FBB] =	sst s0  }
0x18: {  	s0 =	sld [smem:$0x3F9E];
	_ =	swait.ge [sflag:s4], $0x0  }
0x19: {  	s7 =	sld [smem:$0x3F9F]  }
0x1a: {  	s8 =	sadd.s32 $0xFFFFE003, lr  }
0x1b: {  	s9 =	sadd.s32 $0xFFFFFEF7, lr;
	s5 =	simm.s32 $0xFFFFFFFF;
	p2 =	slt.u32 s8, $0xFFFFF086  }
0x1c: {  	p1 =	slt.u32 s9, $0xF7A;
	s5 =	simm.s32 @!p2 $0x0  }
0x1d: {  	s5 =	simm.s32 @p1 $0x1;
	p0 =	seq.s32 s7, s2  }
0x1e: {  	s7 =	smul.u32 @!p0 $0xF7A, s2;
	p2 =	seq.s32 @!p0 s5, $0x0  }
0x1f: {  	s9 =	smul.u32 $0xF7A, s1;
	s8 =	simm.s32 @!p0 $0x1BF5;
	p2 =	por !p2, p0  }
0x20: {  	[sflag:s8] =	ssyncset.s32 @!p0 $0xFFFFF086;
	s6 =	sadd.s32 @!p0 s3, s7;
	s7 =	simm.s32 @!p0 $0x108  }
0x21: {  	s3 =	sadd.s32 s3, s9;
	s6 =	sadd.s32 @!p0 $0x88, s6;
	s7 =	simm.s32 @p2 $0x1082  }
0x22: {  	[simem:s7], [sflag:s8] =	dma.local @!p0 [hbm:s6], $0xF7A  }
0x23: {  	s9 =	sor.u32 $0xD0000000, s2;
	s6 =	simm.s32 $0x108;
	_ =	swait.ge @!p0 [sflag:s8], $0x0  }
0x24: {  	s3 =	sadd.s32 $0x88, s3;
	s6 =	simm.s32 @!p1 $0x1082;
	[sflag:s4] =	ssyncset.s32 $0xFFFFF086  }
0x25: {  	[simem:s6], [sflag:s4] =	dma.local [hbm:s3], $0xF7A  }
0x26: {  	[smem:$0x3F9F] =	sst s1;
	(tag) =	ssettag s2;
	_ =	strace s9  }
0x27: {  	s1 =	sld [smem:$0x3FAF]  }
0x28: {  	s2 =	sld [smem:$0x3FB0]  }
0x29: {  	s4 =	sld [smem:$0x3FB2]  }
0x2a: {  	p0 =	seq.s32 s5, $0x0;
	s5 =	sld [smem:$0x3FB3]  }
0x2b: {  	s6 =	sld [smem:$0x3FB4]  }
0x2c: {  	s7 =	sld [smem:$0x3FB5]  }
0x2d: {  	s3 =	simm.s32 $0x108;
	s8 =	sld [smem:$0x3FB6]  }
0x2e: {  	s3 =	simm.s32 @!p0 $0x1082;
	s9 =	sld [smem:$0x3FB7]  }
0x2f: {  	lr =	sadd.s32 s0, s3;
	s0 =	sld [smem:$0x3FAE]  }
0x30: {  	s3 =	sld [smem:$0x3FB1]  }
0x31: {  	[smem:$0x3FBA] =	sst s10  }
0x32: {  	s10 =	sld [smem:$0x3FB8];
	_ =	sdelay $0x3  }
0x33: {  	p0 =	seq.s32 s10, $0x1;
	s10 =	sld [smem:$0x3FBA];
	_ =	sdelay $0x3  }
0x34: {  	[smem:$0x3FBA] =	sst s10  }
0x35: {  	s10 =	sld [smem:$0x3FB9];
	_ =	sdelay $0x3  }
0x36: {  	p1 =	seq.s32 s10, $0x1;
	s10 =	sld [smem:$0x3FBA];
	_ =	sdelay $0x3  }
0x37: {  	[smem:$0x3FBA] =	sst s10  }
0x38: {  	s10 =	sld [smem:$0x3FBB]  }
0x39: {  	_ = 	snop;
	(pc) =	sbr.ind lr, $3  }
0x3a: {  	_ = 	snop  }
0x3b: {  	_ = 	snop  }
0x3c: {  	p2 =	seq.s32 s10, $0x1;
	s10 =	sld [smem:$0x3FBA]  }
0x3d: {  	_ =	shalt  }
0x3e: {  	_ =	shalt  }
0x3f: {  	_ =	shalt  }
0x40: {  	_ =	shalt  }
0x41: {  	_ =	shalt  }
0x42: {  	_ =	shalt  }
0x43: {  	_ =	shalt  }
0x44: {  	_ =	shalt  }
0x45: {  	_ =	shalt  }
0x46: {  	_ =	shalt  }
0x47: {  	_ =	shalt  }
0x48: {  	_ =	shalt  }
0x49: {  	_ =	shalt  }
0x4a: {  	_ =	shalt  }
0x4b: {  	_ =	shalt  }
0x4c: {  	_ =	shalt  }
0x4d: {  	_ =	shalt  }
0x4e: {  	_ =	shalt  }
0x4f: {  	_ =	shalt  }
0x50: {  	_ =	shalt  }
0x51: {  	_ =	shalt  }
0x52: {  	_ =	shalt  }
0x53: {  	_ =	shalt  }
0x54: {  	_ =	shalt  }
0x55: {  	_ =	shalt  }
0x56: {  	_ =	shalt  }
0x57: {  	_ =	shalt  }
0x58: {  	_ =	shalt  }
0x59: {  	_ =	shalt  }
0x5a: {  	_ =	shalt  }
0x5b: {  	_ =	shalt  }
0x5c: {  	_ =	shalt  }
0x5d: {  	_ =	shalt  }
0x5e: {  	_ =	shalt  }
0x5f: {  	_ =	shalt  }
0x60: {  	_ =	shalt  }
0x61: {  	_ =	shalt  }
0x62: {  	_ =	shalt  }
0x63: {  	_ =	shalt  }
0x64: {  	_ =	shalt  }
0x65: {  	_ =	shalt  }
0x66: {  	_ =	shalt  }
0x67: {  	_ =	shalt  }
0x68: {  	_ =	shalt  }
0x69: {  	_ =	shalt  }
0x6a: {  	_ =	shalt  }
0x6b: {  	_ =	shalt  }
0x6c: {  	_ =	shalt  }
0x6d: {  	_ =	shalt  }
0x6e: {  	_ =	shalt  }
0x6f: {  	_ =	shalt  }
0x70: {  	_ =	shalt  }
0x71: {  	_ =	shalt  }
0x72: {  	_ =	shalt  }
0x73: {  	_ =	shalt  }
0x74: {  	_ =	shalt  }
0x75: {  	_ =	shalt  }
0x76: {  	_ =	shalt  }
0x77: {  	_ =	shalt  }
0x78: {  	_ =	shalt  }
0x79: {  	_ =	shalt  }
0x7a: {  	_ =	shalt  }
0x7b: {  	_ =	shalt  }
0x7c: {  	_ =	shalt  }
0x7d: {  	_ =	shalt  }
0x7e: {  	_ =	shalt  }
0x7f: {  	_ =	shalt  }
0x80: {  	_ =	shalt  }
0x81: {  	_ =	shalt  }
0x82: {  	_ =	shalt  }
0x83: {  	_ =	shalt  }
0x84: {  	_ =	shalt  }
0x85: {  	_ =	shalt  }
0x86: {  	_ =	shalt  }
0x87: {  	_ =	shalt  }
.Lfunc_end0:
.L_simem_size_0:
called_computation.1_lowered:
.L_overlay_start_0:
0x88: {  	s2 =	sld [smem:$0x3FD9]  }
0x89: {  	s3 =	sld [smem:$0x3FFE];
	_ =	sdelay $0x1  }
0x8a: {  	s1 =	srdreg.scid  }
0x8b: {  	s0 =	sand.u32 $0x1, s1  }
0x8c: {  	s17 =	sshll.u32 s0, $0xA;
	s2 =	sadd.s32 s3, s2  }
0x8d: {  	s2 =	sadd.s32 s2, s17  }
0x8e: {  	[smem:$0x3FC6] =	sst s2  }
0x8f: {  	_ = 	snop  }
0x90: {  	s2 =	sld [smem:$0x3FD0];
	(tm) =	ssettm $0x1  }
0x91: {  	s18 =	sld [smem:$0x3FFB];
	_ =	sdelay $0x3  }
0x92: {  	_ =	strace s18  }
0x93: {  	s3 =	sld [smem:$0x3FFC];
	_ =	sdelay $0x3  }
0x94: {  	_ =	strace s3  }
0x95: {  	s3 =	sld [smem:$0x3FFD];
	_ =	sdelay $0x3  }
0x96: {  	_ =	strace s3  }
0x97: {  	_ =	strace $0x8FFFFFFF  }
0x98: {  	s19 =	sld [smem:$0x3FDB];
	_ =	sdelay $0x1  }
0x99: {  	s4 =	simm.s32 $_scs_section_size  }
0x9a: {  	s5 =	simm.s32 $_size__tile_overlayer_lowered;
	s6 =	simm.s32 $_tile_overlayer_lowered  }
0x9b: {  	s22 =	simm.s32 $0x1BFF;
	s21 =	sshll.u32 s6, $0x1;
	s3 =	sadd.s32 s4, s19  }
0x9c: {  	s7 =	simm.s32 $0x0;
	s20 =	sshll.u32 s5, $0x1;
	s5 =	sadd.s32 s21, s3  }
0x9d: {  	[timem:s7], [sflag:s22] =	dma.local [hbm:s5], s20  }
0x9e: {  	_ =	swait.ge [sflag:s22], s20  }
0x9f: {  	s4 =	ssub.s32 $0x0, s20;
	[sflag:s22] =	ssyncset.done $0x0  }
0xa0: {  	[sflag:s22] =	ssyncadd.s32 s4;
	_ =	sdelay $0x1  }
0xa1: {  	s23 =	simm.s32 $0x1B8B  }
0xa2: {  	_ =	swait.ge [sflag:s23], $0x1  }
0xa3: {  	[sflag:s23] =	ssyncset.done $0x0  }
0xa4: {  	s25 =	simm.s32 $0x1B8E;
	s24 =	sld [smem:$0x3FFE];
	[sflag:s23] =	ssyncadd.s32 $0xFFFFFFFF  }
0xa5: {  	s26 =	simm.s32 $execute0_lowered;
	[smem:$0x3FD2] =	sst s25  }
0xa6: {  	s5 =	sshll.u32 s26, $0x1;
	_ =	strace $0x80000046;
	[dreg:$0x1] =	wrdreg $0xFFFFFFFF  }
0xa7: {  	s28 =	simm.s32 $_size_execute0_lowered;
	s3 =	sadd.s32 s3, s5;
	[dreg:$0x0] =	wrdreg $0x0  }
0xa8: {  	s5 =	sshll.u32 s28, $0x1;
	[dreg:$0x2] =	wrdreg s3  }
0xa9: {  	[dreg:$0x3] =	wrdreg s5  }
0xaa: {  	[dreg:$0x4] =	wrdreg $0xC0  }
0xab: {  	_ =	task [dreg:s7], $0x5FFFF  }
0xac: {  	[dreg:$0x1] =	wrdreg $0xFFFFFFFF  }
0xad: {  	[dreg:$0x0] =	wrdreg $0x60  }
0xae: {  	[dreg:$0x2] =	wrdreg s24  }
0xaf: {  	[dreg:$0x3] =	wrdreg s2  }
0xb0: {  	[dreg:$0x4] =	wrdreg $0x9  }
0xb1: {  	_ =	task.clear_ibuf [dreg:s7], $0x5FFFF;
	_ =	strace $0x90000046  }
0xb2: {  	s29 =	simm.s32 $0x9;
	_ =	strace $0x80000048  }
0xb3: {  	_ =	swait.ge [sflag:s29], $0x1  }
0xb4: {  	[sflag:s29] =	ssyncadd.s32 $0xFFFFFFFF  }
0xb5: {  	_ =	strace $0x90000048  }
0xb6: {  	_ =	sfence  }
0xb7: {  	s30 =	sld [smem:$0x0];
	_ =	sdelay $0x2  }
0xb8: {  	s31 =	sshll.u32 s1, $0xD;
	s1 =	sshrl.u32 s1, $0x2  }
0xb9: {  	s3 =	sand.u32 $0x4000, s31;
	s1 =	sadd.s32 s1, s30  }
0xba: {  	s0 =	sor.u32 s3, s0;
	s1 =	sshll.u32 s1, $0x11  }
0xbb: {  	s0 =	sor.u32 s1, s0  }
0xbc: {  	s0 =	sadd.s32 $0x8F2B, s0  }
0xbd: {  	[sflag:s0] =	ssyncadd.remote.s32 $0x1  }
0xbe: {  	_ =	sfence.sel $0xFFFF  }
0xbf: {  	[dreg:$0x0] =	wrdreg $0xFFFFFFFF;
	(pc) =	sbr.abs _section_cstart, $3  }
0xc0: {  	[dreg:$0x1] =	wrdreg $0xFFFFFFFF  }
0xc1: {  	_ =	task.clear_ibuf [dreg:s7], $0x2FFFF;
	_ =	strace $0x9FFFFFFF  }
0xc2: {  	(tm) =	ssettm $0x7FFFFFFF  }
0xc3: {  	_ =	shalt  }
tec
execute0_lowered:
.L_overlay_start_1:
0x0: {  	(tag) =	ssettag $0x1  }
0x1: {  	s1 =	srdreg.scid;
	s0 =	stileid.u32  }
0x2: {  	s1 =	sand.u32 $0x1, s1;
	s2 =	sshll.u32 s0, $0x1  }
0x3: {  	s3 =	sor.u32 s1, s2  }
0x4: {  	s6 =	smul.u32 $0x50, s3  }
0x5: {  	s4 =	rddreg [dreg:$0x0];
	s2 =	simm.s32 $0x0;
	s7 =	smul.u32 $0x9C400, s3  }
0x6: {  	[smem:$0x7FF] =	sst s2;
	s3 =	smul.u32 $0x13880, s3  }
0x7: {  	s5 =	rddreg [dreg:$0x1];
	_ =	strace $0x80000047  }
0x8: {  	s6 =	sadd.s32 s6, s4;
	s7 =	sshrl.u32 s7, $0x3;
	s3 =	sadd.s32 s5, s3  }
0x9: {  	s6 =	sadd.s32 $0x800, s6;
	s31 =	sadd.s32 s5, s7;
	[dreg:$0x4] =	wrdreg s3  }
0xa: {  	[dreg:$0x3] =	wrdreg s6;
	s16 =	sadd.s32 $0x1388, s31  }
0xb: {  	s17 =	sadd.s32 $0x2710, s31;
	[dreg:$0x5] =	wrdreg s16  }
0xc: {  	s18 =	sadd.s32 $0x3A98, s31;
	[dreg:$0x6] =	wrdreg s17  }
0xd: {  	s19 =	sadd.s32 $0x4E20, s31;
	[dreg:$0x7] =	wrdreg s18  }
0xe: {  	s20 =	sadd.s32 $0x61A8, s31;
	[dreg:$0x8] =	wrdreg s19  }
0xf: {  	s21 =	sadd.s32 $0x7530, s31;
	[dreg:$0x9] =	wrdreg s20  }
0x10: {  	s22 =	sadd.s32 $0x88B8, s31;
	[dreg:$0xa] =	wrdreg s21  }
0x11: {  	s23 =	sadd.s32 $0x9C40, s31;
	[dreg:$0xb] =	wrdreg s22  }
0x12: {  	[dreg:$0xc] =	wrdreg s23  }
0x13: {  	s24 =	sadd.s32 $0xAFC8, s31;
	s25 =	rddreg [dreg:$0x3]  }
0x14: {  	s26 =	sadd.s32 $0xC350, s31;
	[dreg:$0xd] =	wrdreg s24  }
0x15: {  	s3 =	simm.s32 $0x5;
	[dreg:$0xe] =	wrdreg s26  }
0x16: {  	[tilespmem:s2], [sflag:$0x5] =	stream.linear.gather [hbm4b:s25+s2], $0x280, $0x38;
	[tilespmem:$0x13B00] =	vst v63  }
0x17: {  	_ =	swait.ge [sflag:s3], $0x280  }
0x18: {  	s4 =	sadd.s32 $0x1200, s4;
	[sflag:s3] =	ssyncset.done $0x0  }
0x19: {  	s5 =	simm.s32 $0x28;
	s6 =	simm.s32 $0x280;
	[sflag:s3] =	ssyncadd.s32 $0xFFFFFD80  }
0x1a: {  	[tilespmem:s6], [sflag:$0x1] =	stream.indirect.gather [hbm4b:s4+s5], $0x3E8, s2, s5, $0xb8;
	[tilespmem:$0x13B00] =	vst v63  }
0x1b: {  	s8 =	simm.s32 $0x1;
	s7 =	simm.s32 $0x9EC0  }
0x1c: {  	[tilespmem:s7], [sflag:$0x2] =	stream.indirect.gather [hbm4b:s4+s5], $0x3E8, s5, s5, $0xb8;
	[tilespmem:$0x13B00] =	vst v63  }
0x1d: {  	_ =	swait.ge [sflag:s8], $0x9C40  }
0x1e: {  	[sflag:s8] =	ssyncset.done $0x0  }
0x1f: {  	s9 =	simm.s32 $0x3;
	s10 =	rddreg [dreg:$0x4];
	[sflag:s8] =	ssyncadd.s32 $0xFFFF63C0  }
0x20: {  	[hbm4b:s10+s2] =	stream.linear.scatter [tilespmem:s6], [sflag:$0x3], $0x9C40, $0x38;
	[tilespmem:$0x13B00] =	vst v63  }
0x21: {  	_ =	swait.ge [sflag:s9], $0x9C40  }
0x22: {  	[sflag:s9] =	ssyncset.done $0x0  }
0x23: {  	s11 =	simm.s32 $0x2;
	s10 =	simm.s32 $0x50;
	[sflag:s9] =	ssyncadd.s32 $0xFFFF63C0  }
0x24: {  	[tilespmem:s6], [sflag:$0x1] =	stream.indirect.gather [hbm4b:s4+s5], $0x3E8, s10, s5, $0xb8;
	[tilespmem:$0x13B00] =	vst v63  }
0x25: {  	_ =	swait.ge [sflag:s11], $0x9C40  }
0x26: {  	[sflag:s11] =	ssyncset.done $0x0  }
0x27: {  	s12 =	simm.s32 $0x4;
	s13 =	rddreg [dreg:$0x5];
	[sflag:s11] =	ssyncadd.s32 $0xFFFF63C0  }
0x28: {  	[hbm4b:s13+s2] =	stream.linear.scatter [tilespmem:s7], [sflag:$0x4], $0x9C40, $0x38;
	[tilespmem:$0x13B00] =	vst v63  }
0x29: {  	_ =	swait.ge [sflag:s12], $0x9C40  }
0x2a: {  	[sflag:s12] =	ssyncset.done $0x0  }
0x2b: {  	s13 =	simm.s32 $0x78;
	[sflag:s12] =	ssyncadd.s32 $0xFFFF63C0  }
0x2c: {  	[tilespmem:s7], [sflag:$0x2] =	stream.indirect.gather [hbm4b:s4+s5], $0x3E8, s13, s5, $0xb8;
	[tilespmem:$0x13B00] =	vst v63  }
0x2d: {  	_ =	swait.ge [sflag:s8], $0x9C40  }
0x2e: {  	[sflag:s8] =	ssyncset.done $0x0  }
0x2f: {  	s14 =	rddreg [dreg:$0x6];
	[sflag:s8] =	ssyncadd.s32 $0xFFFF63C0  }
0x30: {  	[hbm4b:s14+s2] =	stream.linear.scatter [tilespmem:s6], [sflag:$0x3], $0x9C40, $0x38;
	[tilespmem:$0x13B00] =	vst v63  }
0x31: {  	_ =	swait.ge [sflag:s9], $0x9C40  }
0x32: {  	[sflag:s9] =	ssyncset.done $0x0  }
0x33: {  	s14 =	simm.s32 $0xA0;
	[sflag:s9] =	ssyncadd.s32 $0xFFFF63C0  }
0x34: {  	[tilespmem:s6], [sflag:$0x1] =	stream.indirect.gather [hbm4b:s4+s5], $0x3E8, s14, s5, $0xb8;
	[tilespmem:$0x13B00] =	vst v63  }
0x35: {  	_ =	swait.ge [sflag:s11], $0x9C40  }
0x36: {  	[sflag:s11] =	ssyncset.done $0x0  }
0x37: {  	s15 =	rddreg [dreg:$0x7];
	[sflag:s11] =	ssyncadd.s32 $0xFFFF63C0  }
0x38: {  	[hbm4b:s15+s2] =	stream.linear.scatter [tilespmem:s7], [sflag:$0x4], $0x9C40, $0x38;
	[tilespmem:$0x13B00] =	vst v63  }
0x39: {  	_ =	swait.ge [sflag:s12], $0x9C40  }
0x3a: {  	[sflag:s12] =	ssyncset.done $0x0  }
0x3b: {  	s15 =	simm.s32 $0xC8;
	[sflag:s12] =	ssyncadd.s32 $0xFFFF63C0  }
0x3c: {  	[tilespmem:s7], [sflag:$0x2] =	stream.indirect.gather [hbm4b:s4+s5], $0x3E8, s15, s5, $0xb8;
	[tilespmem:$0x13B00] =	vst v63  }
0x3d: {  	_ =	swait.ge [sflag:s8], $0x9C40  }
0x3e: {  	[sflag:s8] =	ssyncset.done $0x0  }
0x3f: {  	s16 =	rddreg [dreg:$0x8];
	[sflag:s8] =	ssyncadd.s32 $0xFFFF63C0  }
0x40: {  	[hbm4b:s16+s2] =	stream.linear.scatter [tilespmem:s6], [sflag:$0x3], $0x9C40, $0x38;
	[tilespmem:$0x13B00] =	vst v63  }
0x41: {  	_ =	swait.ge [sflag:s9], $0x9C40  }
0x42: {  	[sflag:s9] =	ssyncset.done $0x0  }
0x43: {  	s16 =	simm.s32 $0xF0;
	[sflag:s9] =	ssyncadd.s32 $0xFFFF63C0  }
0x44: {  	[tilespmem:s6], [sflag:$0x1] =	stream.indirect.gather [hbm4b:s4+s5], $0x3E8, s16, s5, $0xb8;
	[tilespmem:$0x13B00] =	vst v63  }
0x45: {  	_ =	swait.ge [sflag:s11], $0x9C40  }
0x46: {  	[sflag:s11] =	ssyncset.done $0x0  }
0x47: {  	s17 =	rddreg [dreg:$0x9];
	[sflag:s11] =	ssyncadd.s32 $0xFFFF63C0  }
0x48: {  	[hbm4b:s17+s2] =	stream.linear.scatter [tilespmem:s7], [sflag:$0x4], $0x9C40, $0x38;
	[tilespmem:$0x13B00] =	vst v63  }
0x49: {  	_ =	swait.ge [sflag:s12], $0x9C40  }
0x4a: {  	[sflag:s12] =	ssyncset.done $0x0  }
0x4b: {  	s17 =	simm.s32 $0x118;
	[sflag:s12] =	ssyncadd.s32 $0xFFFF63C0  }
0x4c: {  	[tilespmem:s7], [sflag:$0x2] =	stream.indirect.gather [hbm4b:s4+s5], $0x3E8, s17, s5, $0xb8;
	[tilespmem:$0x13B00] =	vst v63  }
0x4d: {  	_ =	swait.ge [sflag:s8], $0x9C40  }
0x4e: {  	[sflag:s8] =	ssyncset.done $0x0  }
0x4f: {  	s18 =	rddreg [dreg:$0xa];
	[sflag:s8] =	ssyncadd.s32 $0xFFFF63C0  }
0x50: {  	[hbm4b:s18+s2] =	stream.linear.scatter [tilespmem:s6], [sflag:$0x3], $0x9C40, $0x38;
	[tilespmem:$0x13B00] =	vst v63  }
0x51: {  	_ =	swait.ge [sflag:s9], $0x9C40  }
0x52: {  	[sflag:s9] =	ssyncset.done $0x0  }
0x53: {  	s18 =	simm.s32 $0x140;
	[sflag:s9] =	ssyncadd.s32 $0xFFFF63C0  }
0x54: {  	[tilespmem:s6], [sflag:$0x1] =	stream.indirect.gather [hbm4b:s4+s5], $0x3E8, s18, s5, $0xb8;
	[tilespmem:$0x13B00] =	vst v63  }
0x55: {  	_ =	swait.ge [sflag:s11], $0x9C40  }
0x56: {  	[sflag:s11] =	ssyncset.done $0x0  }
0x57: {  	s19 =	rddreg [dreg:$0xb];
	[sflag:s11] =	ssyncadd.s32 $0xFFFF63C0  }
0x58: {  	[hbm4b:s19+s2] =	stream.linear.scatter [tilespmem:s7], [sflag:$0x4], $0x9C40, $0x38;
	[tilespmem:$0x13B00] =	vst v63  }
0x59: {  	_ =	swait.ge [sflag:s12], $0x9C40  }
0x5a: {  	[sflag:s12] =	ssyncset.done $0x0  }
0x5b: {  	s19 =	simm.s32 $0x168;
	[sflag:s12] =	ssyncadd.s32 $0xFFFF63C0  }
0x5c: {  	[tilespmem:s7], [sflag:$0x2] =	stream.indirect.gather [hbm4b:s4+s5], $0x3E8, s19, s5, $0xb8;
	[tilespmem:$0x13B00] =	vst v63  }
0x5d: {  	_ =	swait.ge [sflag:s8], $0x9C40  }
0x5e: {  	[sflag:s8] =	ssyncset.done $0x0  }
0x5f: {  	s20 =	rddreg [dreg:$0xc];
	[sflag:s8] =	ssyncadd.s32 $0xFFFF63C0  }
0x60: {  	[hbm4b:s20+s2] =	stream.linear.scatter [tilespmem:s6], [sflag:$0x3], $0x9C40, $0x38;
	[tilespmem:$0x13B00] =	vst v63  }
0x61: {  	_ =	swait.ge [sflag:s9], $0x9C40  }
0x62: {  	[sflag:s9] =	ssyncset.done $0x0  }
0x63: {  	s20 =	simm.s32 $0x190;
	[sflag:s9] =	ssyncadd.s32 $0xFFFF63C0  }
0x64: {  	[tilespmem:s6], [sflag:$0x1] =	stream.indirect.gather [hbm4b:s4+s5], $0x3E8, s20, s5, $0xb8;
	[tilespmem:$0x13B00] =	vst v63  }
0x65: {  	_ =	swait.ge [sflag:s11], $0x9C40  }
0x66: {  	[sflag:s11] =	ssyncset.done $0x0  }
0x67: {  	s21 =	rddreg [dreg:$0xd];
	[sflag:s11] =	ssyncadd.s32 $0xFFFF63C0  }
0x68: {  	[hbm4b:s21+s2] =	stream.linear.scatter [tilespmem:s7], [sflag:$0x4], $0x9C40, $0x38;
	[tilespmem:$0x13B00] =	vst v63  }
0x69: {  	_ =	swait.ge [sflag:s12], $0x9C40  }
0x6a: {  	[sflag:s12] =	ssyncset.done $0x0  }
0x6b: {  	s21 =	simm.s32 $0x1B8;
	[sflag:s12] =	ssyncadd.s32 $0xFFFF63C0  }
0x6c: {  	[tilespmem:s7], [sflag:$0x2] =	stream.indirect.gather [hbm4b:s4+s5], $0x3E8, s21, s5, $0xb8;
	[tilespmem:$0x13B00] =	vst v63  }
0x6d: {  	_ =	swait.ge [sflag:s8], $0x9C40  }
0x6e: {  	[sflag:s8] =	ssyncset.done $0x0  }
0x6f: {  	s22 =	rddreg [dreg:$0xe];
	[sflag:s8] =	ssyncadd.s32 $0xFFFF63C0  }
0x70: {  	[hbm4b:s22+s2] =	stream.linear.scatter [tilespmem:s6], [sflag:$0x3], $0x9C40, $0x38;
	[tilespmem:$0x13B00] =	vst v63  }
0x71: {  	_ =	swait.ge [sflag:s9], $0x9C40  }
0x72: {  	[sflag:s9] =	ssyncset.done $0x0  }
0x73: {  	s22 =	simm.s32 $0x1E0;
	[sflag:s9] =	ssyncadd.s32 $0xFFFF63C0  }
0x74: {  	[tilespmem:s6], [sflag:$0x1] =	stream.indirect.gather [hbm4b:s4+s5], $0x3E8, s22, s5, $0xb8;
	[tilespmem:$0x13B00] =	vst v63  }
0x75: {  	_ =	swait.ge [sflag:s11], $0x9C40  }
0x76: {  	[sflag:s11] =	ssyncset.done $0x0  }
0x77: {  	s23 =	sadd.s32 $0xD6D8, s31;
	[sflag:s11] =	ssyncadd.s32 $0xFFFF63C0  }
0x78: {  	[hbm4b:s23+s2] =	stream.linear.scatter [tilespmem:s7], [sflag:$0x4], $0x9C40, $0x38;
	[tilespmem:$0x13B00] =	vst v63  }
0x79: {  	_ =	swait.ge [sflag:s12], $0x9C40  }
0x7a: {  	[sflag:s12] =	ssyncset.done $0x0  }
0x7b: {  	s24 =	simm.s32 $0x208;
	[sflag:s12] =	ssyncadd.s32 $0xFFFF63C0  }
0x7c: {  	[tilespmem:s7], [sflag:$0x2] =	stream.indirect.gather [hbm4b:s4+s5], $0x3E8, s24, s5, $0xb8;
	[tilespmem:$0x13B00] =	vst v63  }
0x7d: {  	_ =	swait.ge [sflag:s8], $0x9C40  }
0x7e: {  	[sflag:s8] =	ssyncset.done $0x0  }
0x7f: {  	s25 =	sadd.s32 $0xEA60, s31;
	[sflag:s8] =	ssyncadd.s32 $0xFFFF63C0  }
0x80: {  	[hbm4b:s25+s2] =	stream.linear.scatter [tilespmem:s6], [sflag:$0x3], $0x9C40, $0x38;
	[tilespmem:$0x13B00] =	vst v63  }
0x81: {  	_ =	swait.ge [sflag:s9], $0x9C40  }
0x82: {  	[sflag:s9] =	ssyncset.done $0x0  }
0x83: {  	s26 =	simm.s32 $0x230;
	[sflag:s9] =	ssyncadd.s32 $0xFFFF63C0  }
0x84: {  	[tilespmem:s6], [sflag:$0x1] =	stream.indirect.gather [hbm4b:s4+s5], $0x3E8, s26, s5, $0xb8;
	[tilespmem:$0x13B00] =	vst v63  }
0x85: {  	_ =	swait.ge [sflag:s11], $0x9C40  }
0x86: {  	[sflag:s11] =	ssyncset.done $0x0  }
0x87: {  	s28 =	sadd.s32 $0xFDE8, s31;
	[sflag:s11] =	ssyncadd.s32 $0xFFFF63C0  }
0x88: {  	[hbm4b:s28+s2] =	stream.linear.scatter [tilespmem:s7], [sflag:$0x4], $0x9C40, $0x38;
	[tilespmem:$0x13B00] =	vst v63  }
0x89: {  	_ =	swait.ge [sflag:s12], $0x9C40  }
0x8a: {  	[sflag:s12] =	ssyncset.done $0x0  }
0x8b: {  	s29 =	simm.s32 $0x258;
	[sflag:s12] =	ssyncadd.s32 $0xFFFF63C0  }
0x8c: {  	[tilespmem:s7], [sflag:$0x2] =	stream.indirect.gather [hbm4b:s4+s5], $0x3E8, s29, s5, $0xb8;
	[tilespmem:$0x13B00] =	vst v63  }
0x8d: {  	_ =	swait.ge [sflag:s8], $0x9C40  }
0x8e: {  	s1 =	ssub.s32 $0x2, s1;
	[sflag:s8] =	ssyncset.done $0x0  }
0x8f: {  	s0 =	sshrl.u32 s1, $0x1;
	s30 =	sadd.s32 $0x11170, s31;
	[sflag:s8] =	ssyncadd.s32 $0xFFFF63C0  }
0x90: {  	[hbm4b:s30+s2] =	stream.linear.scatter [tilespmem:s6], [sflag:$0x3], $0x9C40, $0x38;
	[tilespmem:$0x13B00] =	vst v63  }
0x91: {  	s0 =	ssub.s32 s1, s0;
	_ =	swait.ge [sflag:s9], $0x9C40  }
0x92: {  	s0 =	smax.u32 s0, $0x1;
	[sflag:s9] =	ssyncset.done $0x0  }
0x93: {  	p0 =	sne.s32 s0, $0x1;
	[sflag:s9] =	ssyncadd.s32 $0xFFFF63C0  }
.Ltmp0:
0x94: {  	_ =	swait.ge [sflag:s11], $0x9C40;
	(pc) =	sbr.rel @!p0 .LBB2_2-.Ltmp0, $4  }
0x95: {  	[sflag:s11] =	ssyncset.done $0x0  }
0x96: {  	s31 =	sadd.s32 $0x124F8, s31;
	[sflag:s11] =	ssyncadd.s32 $0xFFFF63C0  }
0x97: {  	[hbm4b:s31+s2] =	stream.linear.scatter [tilespmem:s7], [sflag:$0x4], $0x9C40, $0x38;
	[tilespmem:$0x13B00] =	vst v63  }
0x98: {  	s1 =	sadd.s32 $0xFFFFFFFF, s0;
	_ =	swait.ge [sflag:s12], $0x9C40  }
.LBB2_1:
0x99: {  	[sflag:s12] =	ssyncset.done $0x0  }
0x9a: {  	s0 =	rddreg [dreg:$0x3];
	[sflag:s12] =	ssyncadd.s32 $0xFFFF63C0  }
0x9b: {  	[tilespmem:s2], [sflag:$0x5] =	stream.linear.gather [hbm4b:s0+s2], $0x280, $0x38;
	[tilespmem:$0x13B00] =	vst v63  }
0x9c: {  	_ =	swait.ge [sflag:s3], $0x280  }
0x9d: {  	[sflag:s3] =	ssyncset.done $0x0  }
0x9e: {  	[sflag:s3] =	ssyncadd.s32 $0xFFFFFD80  }
0x9f: {  	[tilespmem:s6], [sflag:$0x1] =	stream.indirect.gather [hbm4b:s4+s5], $0x3E8, s2, s5, $0xb8;
	[tilespmem:$0x13B00] =	vst v63  }
0xa0: {  	_ = 	snop  }
0xa1: {  	[tilespmem:s7], [sflag:$0x2] =	stream.indirect.gather [hbm4b:s4+s5], $0x3E8, s5, s5, $0xb8;
	[tilespmem:$0x13B00] =	vst v63  }
0xa2: {  	_ =	swait.ge [sflag:s8], $0x9C40  }
0xa3: {  	[sflag:s8] =	ssyncset.done $0x0  }
0xa4: {  	s0 =	rddreg [dreg:$0x4];
	[sflag:s8] =	ssyncadd.s32 $0xFFFF63C0  }
0xa5: {  	[hbm4b:s0+s2] =	stream.linear.scatter [tilespmem:s6], [sflag:$0x3], $0x9C40, $0x38;
	[tilespmem:$0x13B00] =	vst v63  }
0xa6: {  	_ =	swait.ge [sflag:s9], $0x9C40  }
0xa7: {  	[sflag:s9] =	ssyncset.done $0x0  }
0xa8: {  	[sflag:s9] =	ssyncadd.s32 $0xFFFF63C0  }
0xa9: {  	[tilespmem:s6], [sflag:$0x1] =	stream.indirect.gather [hbm4b:s4+s5], $0x3E8, s10, s5, $0xb8;
	[tilespmem:$0x13B00] =	vst v63  }
0xaa: {  	_ =	swait.ge [sflag:s11], $0x9C40  }
0xab: {  	[sflag:s11] =	ssyncset.done $0x0  }
0xac: {  	s0 =	rddreg [dreg:$0x5];
	[sflag:s11] =	ssyncadd.s32 $0xFFFF63C0  }
0xad: {  	[hbm4b:s0+s2] =	stream.linear.scatter [tilespmem:s7], [sflag:$0x4], $0x9C40, $0x38;
	[tilespmem:$0x13B00] =	vst v63  }
0xae: {  	_ =	swait.ge [sflag:s12], $0x9C40  }
0xaf: {  	[sflag:s12] =	ssyncset.done $0x0  }
0xb0: {  	[sflag:s12] =	ssyncadd.s32 $0xFFFF63C0  }
0xb1: {  	[tilespmem:s7], [sflag:$0x2] =	stream.indirect.gather [hbm4b:s4+s5], $0x3E8, s13, s5, $0xb8;
	[tilespmem:$0x13B00] =	vst v63  }
0xb2: {  	_ =	swait.ge [sflag:s8], $0x9C40  }
0xb3: {  	[sflag:s8] =	ssyncset.done $0x0  }
0xb4: {  	s0 =	rddreg [dreg:$0x6];
	[sflag:s8] =	ssyncadd.s32 $0xFFFF63C0  }
0xb5: {  	[hbm4b:s0+s2] =	stream.linear.scatter [tilespmem:s6], [sflag:$0x3], $0x9C40, $0x38;
	[tilespmem:$0x13B00] =	vst v63  }
0xb6: {  	_ =	swait.ge [sflag:s9], $0x9C40  }
0xb7: {  	[sflag:s9] =	ssyncset.done $0x0  }
0xb8: {  	[sflag:s9] =	ssyncadd.s32 $0xFFFF63C0  }
0xb9: {  	[tilespmem:s6], [sflag:$0x1] =	stream.indirect.gather [hbm4b:s4+s5], $0x3E8, s14, s5, $0xb8;
	[tilespmem:$0x13B00] =	vst v63  }
0xba: {  	_ =	swait.ge [sflag:s11], $0x9C40  }
0xbb: {  	[sflag:s11] =	ssyncset.done $0x0  }
0xbc: {  	s0 =	rddreg [dreg:$0x7];
	[sflag:s11] =	ssyncadd.s32 $0xFFFF63C0  }
0xbd: {  	[hbm4b:s0+s2] =	stream.linear.scatter [tilespmem:s7], [sflag:$0x4], $0x9C40, $0x38;
	[tilespmem:$0x13B00] =	vst v63  }
0xbe: {  	_ =	swait.ge [sflag:s12], $0x9C40  }
0xbf: {  	[sflag:s12] =	ssyncset.done $0x0  }
0xc0: {  	[sflag:s12] =	ssyncadd.s32 $0xFFFF63C0  }
0xc1: {  	[tilespmem:s7], [sflag:$0x2] =	stream.indirect.gather [hbm4b:s4+s5], $0x3E8, s15, s5, $0xb8;
	[tilespmem:$0x13B00] =	vst v63  }
0xc2: {  	_ =	swait.ge [sflag:s8], $0x9C40  }
0xc3: {  	[sflag:s8] =	ssyncset.done $0x0  }
0xc4: {  	s0 =	rddreg [dreg:$0x8];
	[sflag:s8] =	ssyncadd.s32 $0xFFFF63C0  }
0xc5: {  	[hbm4b:s0+s2] =	stream.linear.scatter [tilespmem:s6], [sflag:$0x3], $0x9C40, $0x38;
	[tilespmem:$0x13B00] =	vst v63  }
0xc6: {  	_ =	swait.ge [sflag:s9], $0x9C40  }
0xc7: {  	[sflag:s9] =	ssyncset.done $0x0  }
0xc8: {  	[sflag:s9] =	ssyncadd.s32 $0xFFFF63C0  }
0xc9: {  	[tilespmem:s6], [sflag:$0x1] =	stream.indirect.gather [hbm4b:s4+s5], $0x3E8, s16, s5, $0xb8;
	[tilespmem:$0x13B00] =	vst v63  }
0xca: {  	_ =	swait.ge [sflag:s11], $0x9C40  }
0xcb: {  	[sflag:s11] =	ssyncset.done $0x0  }
0xcc: {  	s0 =	rddreg [dreg:$0x9];
	[sflag:s11] =	ssyncadd.s32 $0xFFFF63C0  }
0xcd: {  	[hbm4b:s0+s2] =	stream.linear.scatter [tilespmem:s7], [sflag:$0x4], $0x9C40, $0x38;
	[tilespmem:$0x13B00] =	vst v63  }
0xce: {  	_ =	swait.ge [sflag:s12], $0x9C40  }
0xcf: {  	[sflag:s12] =	ssyncset.done $0x0  }
0xd0: {  	[sflag:s12] =	ssyncadd.s32 $0xFFFF63C0  }
0xd1: {  	[tilespmem:s7], [sflag:$0x2] =	stream.indirect.gather [hbm4b:s4+s5], $0x3E8, s17, s5, $0xb8;
	[tilespmem:$0x13B00] =	vst v63  }
0xd2: {  	_ =	swait.ge [sflag:s8], $0x9C40  }
0xd3: {  	[sflag:s8] =	ssyncset.done $0x0  }
0xd4: {  	s0 =	rddreg [dreg:$0xa];
	[sflag:s8] =	ssyncadd.s32 $0xFFFF63C0  }
0xd5: {  	[hbm4b:s0+s2] =	stream.linear.scatter [tilespmem:s6], [sflag:$0x3], $0x9C40, $0x38;
	[tilespmem:$0x13B00] =	vst v63  }
0xd6: {  	_ =	swait.ge [sflag:s9], $0x9C40  }
0xd7: {  	[sflag:s9] =	ssyncset.done $0x0  }
0xd8: {  	[sflag:s9] =	ssyncadd.s32 $0xFFFF63C0  }
0xd9: {  	[tilespmem:s6], [sflag:$0x1] =	stream.indirect.gather [hbm4b:s4+s5], $0x3E8, s18, s5, $0xb8;
	[tilespmem:$0x13B00] =	vst v63  }
0xda: {  	_ =	swait.ge [sflag:s11], $0x9C40  }
0xdb: {  	[sflag:s11] =	ssyncset.done $0x0  }
0xdc: {  	s0 =	rddreg [dreg:$0xb];
	[sflag:s11] =	ssyncadd.s32 $0xFFFF63C0  }
0xdd: {  	[hbm4b:s0+s2] =	stream.linear.scatter [tilespmem:s7], [sflag:$0x4], $0x9C40, $0x38;
	[tilespmem:$0x13B00] =	vst v63  }
0xde: {  	_ =	swait.ge [sflag:s12], $0x9C40  }
0xdf: {  	[sflag:s12] =	ssyncset.done $0x0  }
0xe0: {  	[sflag:s12] =	ssyncadd.s32 $0xFFFF63C0  }
0xe1: {  	[tilespmem:s7], [sflag:$0x2] =	stream.indirect.gather [hbm4b:s4+s5], $0x3E8, s19, s5, $0xb8;
	[tilespmem:$0x13B00] =	vst v63  }
0xe2: {  	_ =	swait.ge [sflag:s8], $0x9C40  }
0xe3: {  	[sflag:s8] =	ssyncset.done $0x0  }
0xe4: {  	s0 =	rddreg [dreg:$0xc];
	[sflag:s8] =	ssyncadd.s32 $0xFFFF63C0  }
0xe5: {  	[hbm4b:s0+s2] =	stream.linear.scatter [tilespmem:s6], [sflag:$0x3], $0x9C40, $0x38;
	[tilespmem:$0x13B00] =	vst v63  }
0xe6: {  	_ =	swait.ge [sflag:s9], $0x9C40  }
0xe7: {  	[sflag:s9] =	ssyncset.done $0x0  }
0xe8: {  	[sflag:s9] =	ssyncadd.s32 $0xFFFF63C0  }
0xe9: {  	[tilespmem:s6], [sflag:$0x1] =	stream.indirect.gather [hbm4b:s4+s5], $0x3E8, s20, s5, $0xb8;
	[tilespmem:$0x13B00] =	vst v63  }
0xea: {  	_ =	swait.ge [sflag:s11], $0x9C40  }
0xeb: {  	[sflag:s11] =	ssyncset.done $0x0  }
0xec: {  	s0 =	rddreg [dreg:$0xd];
	[sflag:s11] =	ssyncadd.s32 $0xFFFF63C0  }
0xed: {  	[hbm4b:s0+s2] =	stream.linear.scatter [tilespmem:s7], [sflag:$0x4], $0x9C40, $0x38;
	[tilespmem:$0x13B00] =	vst v63  }
0xee: {  	_ =	swait.ge [sflag:s12], $0x9C40  }
0xef: {  	[sflag:s12] =	ssyncset.done $0x0  }
0xf0: {  	[sflag:s12] =	ssyncadd.s32 $0xFFFF63C0  }
0xf1: {  	[tilespmem:s7], [sflag:$0x2] =	stream.indirect.gather [hbm4b:s4+s5], $0x3E8, s21, s5, $0xb8;
	[tilespmem:$0x13B00] =	vst v63  }
0xf2: {  	_ =	swait.ge [sflag:s8], $0x9C40  }
0xf3: {  	[sflag:s8] =	ssyncset.done $0x0  }
0xf4: {  	s0 =	rddreg [dreg:$0xe];
	[sflag:s8] =	ssyncadd.s32 $0xFFFF63C0  }
0xf5: {  	[hbm4b:s0+s2] =	stream.linear.scatter [tilespmem:s6], [sflag:$0x3], $0x9C40, $0x38;
	[tilespmem:$0x13B00] =	vst v63  }
0xf6: {  	_ =	swait.ge [sflag:s9], $0x9C40  }
0xf7: {  	[sflag:s9] =	ssyncset.done $0x0  }
0xf8: {  	[sflag:s9] =	ssyncadd.s32 $0xFFFF63C0  }
0xf9: {  	[tilespmem:s6], [sflag:$0x1] =	stream.indirect.gather [hbm4b:s4+s5], $0x3E8, s22, s5, $0xb8;
	[tilespmem:$0x13B00] =	vst v63  }
0xfa: {  	_ =	swait.ge [sflag:s11], $0x9C40  }
0xfb: {  	[sflag:s11] =	ssyncset.done $0x0  }
0xfc: {  	[sflag:s11] =	ssyncadd.s32 $0xFFFF63C0  }
0xfd: {  	[hbm4b:s23+s2] =	stream.linear.scatter [tilespmem:s7], [sflag:$0x4], $0x9C40, $0x38;
	[tilespmem:$0x13B00] =	vst v63  }
0xfe: {  	_ =	swait.ge [sflag:s12], $0x9C40  }
0xff: {  	[sflag:s12] =	ssyncset.done $0x0  }
0x100: {  	[sflag:s12] =	ssyncadd.s32 $0xFFFF63C0  }
0x101: {  	[tilespmem:s7], [sflag:$0x2] =	stream.indirect.gather [hbm4b:s4+s5], $0x3E8, s24, s5, $0xb8;
	[tilespmem:$0x13B00] =	vst v63  }
0x102: {  	_ =	swait.ge [sflag:s8], $0x9C40  }
0x103: {  	[sflag:s8] =	ssyncset.done $0x0  }
0x104: {  	[sflag:s8] =	ssyncadd.s32 $0xFFFF63C0  }
0x105: {  	[hbm4b:s25+s2] =	stream.linear.scatter [tilespmem:s6], [sflag:$0x3], $0x9C40, $0x38;
	[tilespmem:$0x13B00] =	vst v63  }
0x106: {  	_ =	swait.ge [sflag:s9], $0x9C40  }
0x107: {  	[sflag:s9] =	ssyncset.done $0x0  }
0x108: {  	[sflag:s9] =	ssyncadd.s32 $0xFFFF63C0  }
0x109: {  	[tilespmem:s6], [sflag:$0x1] =	stream.indirect.gather [hbm4b:s4+s5], $0x3E8, s26, s5, $0xb8;
	[tilespmem:$0x13B00] =	vst v63  }
0x10a: {  	_ =	swait.ge [sflag:s11], $0x9C40  }
0x10b: {  	[sflag:s11] =	ssyncset.done $0x0  }
0x10c: {  	[sflag:s11] =	ssyncadd.s32 $0xFFFF63C0  }
0x10d: {  	[hbm4b:s28+s2] =	stream.linear.scatter [tilespmem:s7], [sflag:$0x4], $0x9C40, $0x38;
	[tilespmem:$0x13B00] =	vst v63  }
0x10e: {  	_ =	swait.ge [sflag:s12], $0x9C40  }
0x10f: {  	[sflag:s12] =	ssyncset.done $0x0  }
0x110: {  	[sflag:s12] =	ssyncadd.s32 $0xFFFF63C0  }
0x111: {  	[tilespmem:s7], [sflag:$0x2] =	stream.indirect.gather [hbm4b:s4+s5], $0x3E8, s29, s5, $0xb8;
	[tilespmem:$0x13B00] =	vst v63  }
0x112: {  	_ =	swait.ge [sflag:s8], $0x9C40  }
0x113: {  	[sflag:s8] =	ssyncset.done $0x0  }
0x114: {  	[sflag:s8] =	ssyncadd.s32 $0xFFFF63C0  }
0x115: {  	[hbm4b:s30+s2] =	stream.linear.scatter [tilespmem:s6], [sflag:$0x3], $0x9C40, $0x38;
	[tilespmem:$0x13B00] =	vst v63  }
0x116: {  	_ =	swait.ge [sflag:s9], $0x9C40  }
0x117: {  	[sflag:s9] =	ssyncset.done $0x0  }
0x118: {  	p0 =	sne.s32 s1, $0x1;
	[sflag:s9] =	ssyncadd.s32 $0xFFFF63C0  }
.Ltmp1:
0x119: {  	_ =	swait.ge [sflag:s11], $0x9C40;
	(pc) =	sbr.rel @p0 .LBB2_1-.Ltmp1, $4  }
0x11a: {  	[sflag:s11] =	ssyncset.done $0x0  }
0x11b: {  	[sflag:s11] =	ssyncadd.s32 $0xFFFF63C0  }
0x11c: {  	[hbm4b:s31+s2] =	stream.linear.scatter [tilespmem:s7], [sflag:$0x4], $0x9C40, $0x38;
	[tilespmem:$0x13B00] =	vst v63  }
0x11d: {  	s1 =	sadd.s32 $0xFFFFFFFF, s1;
	_ =	swait.ge [sflag:s12], $0x9C40  }
.LBB2_2:
0x11e: {  	[sflag:s12] =	ssyncset.done $0x0  }
0x11f: {  	[sflag:s12] =	ssyncadd.s32 $0xFFFF63C0  }
0x120: {  	_ =	sfence.sel $0x180000  }
0x121: {  	[bflag:$0x0] =	sbarrier.arrive $0xFFFF  }
0x122: {  	_ =	strace $0x90000047  }
0x123: {  	s0 =	stileid.u32;
	[bflag:$0x2] =	sbarrier.arrive $0xFFFF  }
0x124: {  	p0 =	sne.s32 s0, $0x0;
	s0 =	rddreg [dreg:$0x2]  }
0x125: {  	s0 =	sadd.s32 @!p0 $0x100000, s0  }
0x126: {  	[sflag:s0] =	ssyncadd.tile.s32 @!p0 $0x1;
	_ =	shalt  }
.Lfunc_end2:
_tile_overlayer_lowered:
.L_overlay_start_2:
0x127: {  	(tag) =	ssettag $0x2  }
0x128: {  	s0 =	rddreg [dreg:$0x0];
	s2 =	stileid.u32  }
0x129: {  	s1 =	rddreg [dreg:$0x1];
	p0 =	sne.s32 s2, $0x0  }
0x12a: {  	s3 =	rddreg [dreg:$0x2];
	[bflag:$0x3] =	sbarrier.arrive $0xFFFF;
	s2 =	simm.s32 @!p0 $0x1C05  }
0x12b: {  	[timem:s3], [sflag:s2] =	dma.local @!p0 [hbm:s0], s1  }
0x12c: {  	s0 =	simm.s32 @!p0 $0x5  }
0x12d: {  	_ =	swait.ge @!p0 [sflag:s0], s1  }
0x12e: {  	s1 =	ssub.s32 @!p0 $0x0, s1;
	[sflag:s0] =	ssyncset.done @!p0 $0x0  }
0x12f: {  	[sflag:s0] =	ssyncadd.s32 @!p0 s1  }
0x130: {  	[bflag:$0x3] =	sbarrier.arrive $0xFFFF  }
0x131: {  	_ =	shalt  }

// kernel: sparse-core-data-format-call.cloned.1.call-start
scs
called_computation_lowered:
.L_overlay_start_0:
0x0: {  	s2 =	sld [smem:$0x3FD9]  }
0x1: {  	s3 =	sld [smem:$0x3FFE];
	_ =	sdelay $0x1  }
0x2: {  	s1 =	srdreg.scid  }
0x3: {  	s0 =	sand.u32 $0x1, s1  }
0x4: {  	s18 =	sshll.u32 s0, $0xA;
	s2 =	sadd.s32 s3, s2  }
0x5: {  	s2 =	sadd.s32 s2, s18  }
0x6: {  	[smem:$0x3FC6] =	sst s2  }
0x7: {  	_ = 	snop  }
0x8: {  	s2 =	sld [smem:$0x3FD0];
	(tm) =	ssettm $0x1  }
0x9: {  	s19 =	sld [smem:$0x3FFB];
	_ =	sdelay $0x3  }
0xa: {  	_ =	strace s19  }
0xb: {  	s3 =	sld [smem:$0x3FFC];
	_ =	sdelay $0x3  }
0xc: {  	_ =	strace s3  }
0xd: {  	s3 =	sld [smem:$0x3FFD];
	_ =	sdelay $0x3  }
0xe: {  	_ =	strace s3  }
0xf: {  	_ =	strace $0x8FFFFFFF  }
0x10: {  	s20 =	sld [smem:$0x3FDB];
	_ =	sdelay $0x1  }
0x11: {  	s4 =	simm.s32 $_scs_section_size  }
0x12: {  	s5 =	simm.s32 $_size__tile_overlayer_lowered;
	s6 =	simm.s32 $_tile_overlayer_lowered  }
0x13: {  	s23 =	simm.s32 $0x1BFF;
	s22 =	sshll.u32 s6, $0x1;
	s3 =	sadd.s32 s4, s20  }
0x14: {  	s7 =	simm.s32 $0x0;
	s21 =	sshll.u32 s5, $0x1;
	s5 =	sadd.s32 s22, s3  }
0x15: {  	[timem:s7], [sflag:s23] =	dma.local [hbm:s5], s21  }
0x16: {  	_ =	swait.ge [sflag:s23], s21  }
0x17: {  	s4 =	ssub.s32 $0x0, s21;
	[sflag:s23] =	ssyncset.done $0x0  }
0x18: {  	[sflag:s23] =	ssyncadd.s32 s4;
	_ =	sdelay $0x1  }
0x19: {  	s24 =	simm.s32 $0x1B8B  }
0x1a: {  	_ =	swait.ge [sflag:s24], $0x1  }
0x1b: {  	[sflag:s24] =	ssyncset.done $0x0  }
0x1c: {  	s26 =	simm.s32 $0x1B8E;
	s25 =	sld [smem:$0x3FFE];
	[sflag:s24] =	ssyncadd.s32 $0xFFFFFFFF  }
0x1d: {  	s27 =	simm.s32 $execute0_lowered;
	[smem:$0x3FD2] =	sst s26  }
0x1e: {  	s5 =	sshll.u32 s27, $0x1;
	_ =	strace $0x80000049;
	[dreg:$0x1] =	wrdreg $0xFFFFFFFF  }
0x1f: {  	s28 =	simm.s32 $_size_execute0_lowered;
	s3 =	sadd.s32 s3, s5;
	[dreg:$0x0] =	wrdreg $0x0  }
0x20: {  	s5 =	sshll.u32 s28, $0x1;
	[dreg:$0x2] =	wrdreg s3  }
0x21: {  	[dreg:$0x3] =	wrdreg s5  }
0x22: {  	[dreg:$0x4] =	wrdreg $0xC0  }
0x23: {  	_ =	task [dreg:s7], $0x5FFFF  }
0x24: {  	[dreg:$0x1] =	wrdreg $0xFFFFFFFF  }
0x25: {  	[dreg:$0x0] =	wrdreg $0x60  }
0x26: {  	[dreg:$0x2] =	wrdreg s25  }
0x27: {  	[dreg:$0x3] =	wrdreg s2  }
0x28: {  	[dreg:$0x4] =	wrdreg $0x9  }
0x29: {  	_ =	task.clear_ibuf [dreg:s7], $0x5FFFF;
	_ =	strace $0x90000049  }
0x2a: {  	s29 =	simm.s32 $0x9;
	_ =	strace $0x8000004B  }
0x2b: {  	_ =	swait.ge [sflag:s29], $0x1  }
0x2c: {  	[sflag:s29] =	ssyncadd.s32 $0xFFFFFFFF  }
0x2d: {  	_ =	strace $0x9000004B  }
0x2e: {  	_ =	sfence  }
0x2f: {  	s30 =	sld [smem:$0x0];
	_ =	sdelay $0x2  }
0x30: {  	s31 =	sshll.u32 s1, $0xD;
	s1 =	sshrl.u32 s1, $0x2  }
0x31: {  	s3 =	sand.u32 $0x4000, s31;
	s1 =	sadd.s32 s1, s30  }
0x32: {  	s0 =	sor.u32 s3, s0;
	s1 =	sshll.u32 s1, $0x11  }
0x33: {  	s0 =	sor.u32 s1, s0  }
0x34: {  	s0 =	sadd.s32 $0x8F2B, s0  }
0x35: {  	[sflag:s0] =	ssyncadd.remote.s32 $0x1  }
0x36: {  	_ =	sfence.sel $0xFFFF  }
0x37: {  	[dreg:$0x0] =	wrdreg $0xFFFFFFFF;
	(pc) =	sbr.abs _section_cstart, $3  }
0x38: {  	[dreg:$0x1] =	wrdreg $0xFFFFFFFF  }
0x39: {  	_ =	task.clear_ibuf [dreg:s7], $0x2FFFF;
	_ =	strace $0x9FFFFFFF  }
0x3a: {  	(tm) =	ssettm $0x7FFFFFFF  }
0x3b: {  	_ =	shalt  }
tec
execute0_lowered:
.L_overlay_start_1:
0x0: {  	(tag) =	ssettag $0x1  }
0x1: {  	s0 =	stileid.u32  }
0x2: {  	s2 =	srdreg.scid;
	s7 =	rddreg [dreg:$0x0]  }
0x3: {  	s6 =	simm.s32 $0x1;
	s31 =	simm.s32 $0x2;
	s16 =	simm.s32 $0x0  }
0x4: {  	s9 =	simm.s32 $0x2000;
	s15 =	simm.s32 $0x0;
	s10 =	simm.s32 $0x0  }
0x5: {  	s11 =	simm.s32 $0x0;
	s14 =	simm.s32 $0x0;
	s1 =	sshll.u32 s0, $0x7  }
0x6: {  	s3 =	sshll.u32 s0, $0x4;
	s2 =	sshll.u32 s2, $0x8;
	s1 =	sand.u32 $0x380, s1  }
0x7: {  	s7 =	sadd.s32 $0x800, s7;
	s2 =	sor.u32 s3, s2;
	s5 =	ssub.s32 $0x400, s1  }
0x8: {  	s3 =	rddreg [dreg:$0x1];
	s4 =	sand.u32 $0x180, s2;
	s29 =	sand.u32 $0x380, s5  }
0x9: {  	s30 =	ssub.s32 $0x4E00, s4;
	s5 =	sshrl.u32 s5, $0xA;
	p0 =	sne.s32 s29, $0x0  }
.Ltmp0:
0xa: {  	s8 =	sshrl.u32 s30, $0x9;
	s6 =	simm.s32 @!p0 $0x0;
	(pc) =	sbr.rel .LBB1_1-.Ltmp0, $4  }
0xb: {  	s2 =	rddreg [dreg:$0x2];
	s8 =	sadd.s32 $0x1, s8;
	s6 =	sadd.s32 s6, s5  }
0xc: {  	_ =	strace $0x8000004A;
	s5 =	simm.s32 $0x1;
	s6 =	smul.u32 s6, s8  }
0xd: {  	s13 =	smov.u32 s1;
	s12 =	smov.u32 s4;
	[sflag:s5] =	ssyncpa.u1 $0x0  }
0xe: {  	p0 =	por $0x0, $0x0;
	[sflag:s31] =	ssyncpa.u1 $0x0;
	s8 =	sadd.s32 $0x1, s6  }
.LBB1_4:
0xf: {  	s21 =	sshra.s32 s21, $0x2;
	s27 =	sshll.u32 s10, $0xA;
	s22 =	sshll.u32 s11, $0x3  }
0x10: {  	s23 =	sshll.u32 s10, $0x7;
	s24 =	sand.u32 $0x78, s11;
	p1 =	sgt.s32 s10, $0x4DA0  }
0x11: {  	s25 =	sshra.s32 s10, $0x1F;
	s26 =	sshra.s32 s11, $0x1F;
	s20 =	sadd.s32 s21, s20  }
0x12: {  	v5 =	vld [tilespmem:s18+$0xFFFFFFD0];
	[tilespmem:s19+$0x2040 ss:$0x81] =	vst.msk $0xffff, v4;
	s21 =	sand.u32 $0xFFFFE000, s27;
	s22 =	sand.u32 $0xFFFFFC00, s22;
	s28 =	sand.u32 $0x380, s23  }
0x13: {  	v58 =	vld [tilespmem:s18+$0xFFFFFFE0];
	[tilespmem:s19+$0x2850 ss:$0x81] =	vst.msk $0xffff, v3;
	s23 =	smov.u32 s10;
	s30 =	sand.u32 s25, s10;
	s25 =	smov.u32 s11  }
0x14: {  	v59 =	vld [tilespmem:s18+$0xFFFFFFF0];
	[tilespmem:s19+$0x3060 ss:$0x81] =	vst.msk $0xffff, v2;
	s31 =	sand.u32 s26, s11;
	s21 =	sadd.s32 s22, s21;
	s22 =	sor.u32 s24, s28  }
0x15: {  	v60 =	vld [tilespmem:s18+$0x0];
	[tilespmem:s19+$0x0 ss:$0x81] =	vst.msk $0xffff, v1;
	s23 =	simm.s32 @!p1 $0x4DA0;
	p1 =	sgt.s32 s11, $0x380;
	s21 =	sshrl.u32 s21, $0xA  }
0x16: {  	v61 =	vld [tilespmem:s18+$0x10];
	[tilespmem:s20+$0x3870 ss:$0x81] =	vst.msk $0xffff, v0;
	s19 =	ssub.s32 s23, s30;
	s25 =	simm.s32 @!p1 $0x380;
	s29 =	smulhi.u32 $0x1A36E3, s21  }
0x17: {  	v62 =	vld [tilespmem:s18+$0x20];
	s23 =	ssub.s32 s25, s31;
	s26 =	sadd.s32 $0xFFFFB260, s19;
	s19 =	ssub.s32 $0x4E20, s19;
	[tilespmem:s20+$0x810 ss:$0x81] =	vst.msk $0xffff, v5  }
0x18: {  	v63 =	vld [tilespmem:s18+$0xFFFFFFC0];
	[tilespmem:s20+$0x1020 ss:$0x81] =	vst.msk $0xffff, v58;
	p1 =	sgt.s32 s26, $0x7F;
	s28 =	sadd.s32 $0xFFFFFC80, s23;
	s24 =	sshrl.u32 s29, $0x3  }
0x19: {  	[tilespmem:s20+$0x1830 ss:$0x81] =	vst.msk $0xffff, v59;
	s23 =	ssub.s32 $0x400, s23;
	p2 =	sgt.s32 s28, $0x7F;
	s27 =	smul.u32 $0x4E20, s24  }
0x1a: {  	s30 =	sand.u32 $0x7, s11;
	[tilespmem:s20+$0x2040 ss:$0x81] =	vst.msk $0xffff, v60;
	s19 =	simm.s32 @p1 $0x0;
	s23 =	simm.s32 @p2 $0x0  }
0x1b: {  	[tilespmem:s20+$0x2850 ss:$0x81] =	vst.msk $0xffff, v61;
	s29 =	sshrl.u32 s22, $0x3;
	s19 =	smul.u32 s23, s19;
	s18 =	ssub.s32 s21, s27  }
0x1c: {  	[tilespmem:s20+$0x3060 ss:$0x81] =	vst.msk $0xffff, v62;
	s22 =	sshll.u32 s30, $0x12;
	s21 =	sadd.s32 s3, s29;
	s18 =	sshll.u32 s18, $0x7  }
0x1d: {  	[tilespmem:s20+$0x0 ss:$0x81] =	vst.msk $0xffff, v63;
	s31 =	sor.u32 $0x400, s22;
	s19 =	sand.u32 $0x3FFFFFFF, s19;
	s18 =	sadd.s32 s18, s21  }
0x1e: {  	[hbm4b:s18+s31] =	stream.strided.scatter [tilespmem:s17], [sflag:$0x2], s19, s9, s31, $0x20;
	[tilespmem:$0x10100] =	vst v63  }
.LBB1_5:
0x1f: {  	p1 =	slt.u32 s14, $0x2  }
0x20: {  	s18 =	smov.u32 s16;
	p2 =	sgt.s32 @!p1 s16, $0x4DA0;
	s17 =	sshra.s32 @!p1 s16, $0x1F  }
0x21: {  	p3 =	sgt.s32 @!p1 s15, $0x380;
	s19 =	sshra.s32 @!p1 s15, $0x1F;
	p2 =	por !p2, p1  }
0x22: {  	s16 =	sand.u32 @!p1 s17, s16;
	p3 =	por !p3, p1;
	s17 =	smov.u32 s15  }
0x23: {  	s15 =	sand.u32 @!p1 s19, s15;
	s18 =	simm.s32 @p2 $0x4DA0;
	s17 =	simm.s32 @p3 $0x380  }
0x24: {  	s16 =	ssub.s32 @!p1 s18, s16;
	s15 =	ssub.s32 @!p1 s17, s15  }
0x25: {  	s19 =	smov.u32 s13;
	s17 =	sadd.s32 @!p1 $0xFFFFB260, s16;
	s18 =	sadd.s32 @!p1 $0xFFFFFC80, s15  }
0x26: {  	s16 =	ssub.s32 @!p1 $0x4E20, s16;
	p2 =	sgt.s32 @!p1 s17, $0x7F;
	p3 =	sgt.s32 @!p1 s18, $0x7F  }
0x27: {  	s15 =	ssub.s32 @!p1 $0x400, s15;
	p2 =	por !p2, p1;
	p3 =	por !p3, p1  }
0x28: {  	s17 =	sadd.s32 $0x200, s12;
	s16 =	simm.s32 @!p2 $0x0;
	s15 =	simm.s32 @!p3 $0x0  }
0x29: {  	p2 =	sgt.s32 s17, $0x4E1F;
	s15 =	smul.u32 @!p1 s15, s16;
	s16 =	sadd.s32 $0x400, s13  }
0x2a: {  	s19 =	smov.u32 @p2 s16  }
0x2b: {  	s17 =	smov.u32 @p2 s4;
	p2 =	sgt.s32 s19, $0x3FF  }
0x2c: {  	s19 =	smov.u32 @p2 s1;
	p2 =	sne.s32 s14, s8  }
.Ltmp1:
0x2d: {  	p0 =	por !p0, !p0;
	s18 =	simm.s32 @!p1 $0x2;
	(pc) =	sbr.rel @!p2 .LBB1_6-.Ltmp1, $4  }
0x2e: {  	s16 =	smov.u32 s10;
	s10 =	smov.u32 s12;
	s15 =	sand.u32 @!p1 $0x3FFFFFFF, s15  }
0x2f: {  	s12 =	smov.u32 s17;
	_ =	swait.ge @!p1 [sflag:s18], s15;
	s20 =	ssub.s32 @!p1 $0x0, s15  }
0x30: {  	s15 =	smov.u32 s11;
	s14 =	sadd.s32 $0x1, s14;
	[sflag:s18] =	ssyncset.done @!p1 $0x0  }
0x31: {  	s11 =	smov.u32 s13;
	s13 =	smov.u32 s19;
	[sflag:s18] =	ssyncadd.s32 @!p1 s20  }
.LBB1_1:
0x32: {  	p1 =	sge.u32 s14, s6  }
0x33: {  	s17 =	sshrl.u32 @!p1 s13, $0x3  }
0x34: {  	s18 =	sshll.u32 @!p1 s12, $0x3;
	s17 =	smul.u32 @!p1 $0x27400, s17  }
0x35: {  	s19 =	sshll.u32 @!p1 s13, $0x7;
	s18 =	sand.u32 @!p1 $0xFFFFFC00, s18  }
0x36: {  	s17 =	sadd.s32 @!p1 s17, s18;
	s18 =	sand.u32 @!p1 $0x380, s19  }
0x37: {  	s19 =	sand.u32 @!p1 $0x7F, s12;
	s17 =	sor.u32 @!p1 s18, s17  }
0x38: {  	s18 =	sor.u32 @!p1 s19, s17  }
0x39: {  	s19 =	smulhi.u32 @!p1 $0x342DA7F3, s18;
	_ =	sdelay $0x1  }
0x3a: {  	s17 =	smulhi.u32 @!p1 $0x342DA7F3, s17;
	s19 =	sshrl.u32 @!p1 s19, $0xC  }
0x3b: {  	s19 =	smul.u32 @!p1 $0x4E80, s19  }
0x3c: {  	s31 =	sadd.s32 $0xFFFFFFFF, s14;
	s20 =	sxor.u32 @!p1 $0xFFFFFFFF, s14;
	s17 =	sshrl.u32 @!p1 s17, $0xC  }
0x3d: {  	s20 =	sshll.u32 @!p1 s20, $0xE;
	s17 =	sand.u32 @!p1 $0x3FF, s17;
	s18 =	ssub.s32 @!p1 s18, s19  }
0x3e: {  	s17 =	smul.u32 @!p1 $0x9D0, s17;
	s19 =	sshrl.u32 @!p1 s18, $0x3;
	s18 =	sand.u32 @!p1 $0x7, s18  }
0x3f: {  	s20 =	sand.u32 @!p1 $0x4000, s20;
	s19 =	sadd.s32 @!p1 s7, s19;
	s18 =	sshll.u32 @!p1 s18, $0x12  }
0x40: {  	s17 =	sadd.s32 @!p1 s17, s19;
	s18 =	sor.u32 @!p1 $0x400, s18;
	s19 =	simm.s32 @!p1 $0x27400  }
0x41: {  	[tilespmem:s20], [sflag:$0x1] =	stream.strided.gather @!p1 [hbm4b:s17+s18], $0x4000, s19, s18, $0x38;
	[tilespmem:$0x10100] =	vst v63  }
0x42: {  	p1 =	sge.u32 s31, s6  }
.Ltmp2:
0x43: {  	_ = 	snop;
	(pc) =	sbr.rel @p1 .LBB1_5-.Ltmp2, $1  }
0x44: {  	_ =	sdelay $0x3  }
0x45: {  	s17 =	simm.s32 $0x1  }
0x46: {  	_ =	swait.ge [sflag:s5], $0x4000;
	s17 =	simm.s32 @!p0 $0x0  }
0x47: {  	[sflag:s5] =	ssyncset.done $0x0;
	s18 =	sshll.u32 s17, $0xE  }
0x48: {  	[sflag:s5] =	ssyncadd.s32 $0xFFFFC000;
	s18 =	sor.u32 $0x40, s18  }
0x49: {  	s17 =	smul.u32 $0x10200, s17;
	v0 =	vld [tilespmem:s18+$0x30]  }
0x4a: {  	v1 =	vld [tilespmem:s18+$0xFFFFFFD0]  }
0x4b: {  	s17 =	sshrl.u32 s17, $0x2;
	v5 =	vld [tilespmem:s18+$0xFFFFFFE0]  }
0x4c: {  	v6 =	vld [tilespmem:s18+$0xFFFFFFF0];
	s20 =	sor.u32 $0x8000, s17  }
0x4d: {  	s31 =	sand.u32 $0x1, s14;
	v4 =	vld [tilespmem:s18+$0x0];
	s19 =	sadd.s32 $0x0, s20  }
0x4e: {  	v3 =	vld [tilespmem:s18+$0x10];
	s17 =	smul.u32 $0x10200, s31;
	[tilespmem:s19+$0x3870 ss:$0x81] =	vst.msk $0xffff, v0  }
0x4f: {  	v2 =	vld [tilespmem:s18+$0x20];
	[tilespmem:s19+$0x810 ss:$0x81] =	vst.msk $0xffff, v1  }
0x50: {  	s17 =	sshrl.u32 s17, $0x2;
	v1 =	vld [tilespmem:s18+$0xFFFFFFC0];
	[tilespmem:s19+$0x1020 ss:$0x81] =	vst.msk $0xffff, v5;
	s18 =	sadd.s32 $0x80, s18  }
0x51: {  	s21 =	simm.s32 $0x4;
	s22 =	simm.s32 $0x8;
	s17 =	sor.u32 $0x8000, s17;
	[tilespmem:s19+$0x1830 ss:$0x81] =	vst.msk $0xffff, v6;
	v0 =	vld [tilespmem:s18+$0x30]  }
.LBB1_3:
0x52: {  	p1 =	sne.s32 s22, $0x1FC;
	v5 =	vld [tilespmem:s18+$0xFFFFFFD0];
	[tilespmem:s19+$0x2040 ss:$0x81] =	vst.msk $0xffff, v4  }
0x53: {  	v6 =	vld [tilespmem:s18+$0xFFFFFFE0];
	[tilespmem:s19+$0x2850 ss:$0x81] =	vst.msk $0xffff, v3  }
0x54: {  	s23 =	sshra.s32 s21, $0x2;
	s21 =	smov.u32 s22;
	v7 =	vld [tilespmem:s18+$0xFFFFFFF0];
	[tilespmem:s19+$0x3060 ss:$0x81] =	vst.msk $0xffff, v2  }
.Ltmp3:
0x55: {  	v4 =	vld [tilespmem:s18+$0x0];
	[tilespmem:s19+$0x0 ss:$0x81] =	vst.msk $0xffff, v1;
	s19 =	sadd.s32 s23, s20;
	(pc) =	sbr.rel @p1 .LBB1_3-.Ltmp3, $4  }
0x56: {  	v3 =	vld [tilespmem:s18+$0x10];
	[tilespmem:s19+$0x3870 ss:$0x81] =	vst.msk $0xffff, v0  }
0x57: {  	[tilespmem:s19+$0x810 ss:$0x81] =	vst.msk $0xffff, v5;
	v2 =	vld [tilespmem:s18+$0x20]  }
0x58: {  	v1 =	vld [tilespmem:s18+$0xFFFFFFC0];
	[tilespmem:s19+$0x1020 ss:$0x81] =	vst.msk $0xffff, v6;
	s18 =	sadd.s32 $0x80, s18  }
0x59: {  	s22 =	sadd.s32 $0x4, s22;
	v0 =	vld [tilespmem:s18+$0x30];
	[tilespmem:s19+$0x1830 ss:$0x81] =	vst.msk $0xffff, v7  }
.Ltmp4:
0x5a: {  	_ = 	snop;
	(pc) =	sbr.rel .LBB1_4-.Ltmp4, $1  }
0x5b: {  	_ =	sdelay $0x3  }
.LBB1_6:
0x5c: {  	_ =	sfence.sel $0x180000  }
0x5d: {  	s1 =	simm.s32 $0x1;
	[bflag:$0x0] =	sbarrier.arrive $0xFFFF  }
0x5e: {  	s31 =	simm.s32 $0x2;
	[sflag:s1] =	ssyncpa.u1 $0x1  }
0x5f: {  	[sflag:s31] =	ssyncpa.u1 $0x1  }
0x60: {  	p0 =	sne.s32 s0, $0x0;
	_ =	strace $0x9000004A  }
0x61: {  	s0 =	sadd.s32 @!p0 $0x100000, s2;
	[bflag:$0x2] =	sbarrier.arrive $0xFFFF  }
0x62: {  	[sflag:s0] =	ssyncadd.tile.s32 @!p0 $0x1;
	_ =	shalt  }
.Lfunc_end1:
_tile_overlayer_lowered:
.L_overlay_start_2:
0x63: {  	(tag) =	ssettag $0x2  }
0x64: {  	s0 =	rddreg [dreg:$0x0];
	s2 =	stileid.u32  }
0x65: {  	s1 =	rddreg [dreg:$0x1];
	p0 =	sne.s32 s2, $0x0  }
0x66: {  	s3 =	rddreg [dreg:$0x2];
	[bflag:$0x3] =	sbarrier.arrive $0xFFFF;
	s2 =	simm.s32 @!p0 $0x1C01  }
0x67: {  	[timem:s3], [sflag:s2] =	dma.local @!p0 [hbm:s0], s1  }
0x68: {  	s0 =	simm.s32 @!p0 $0x1  }
0x69: {  	_ =	swait.ge @!p0 [sflag:s0], s1  }
0x6a: {  	s1 =	ssub.s32 @!p0 $0x0, s1;
	[sflag:s0] =	ssyncset.done @!p0 $0x0  }
0x6b: {  	[sflag:s0] =	ssyncadd.s32 @!p0 s1  }
0x6c: {  	[bflag:$0x3] =	sbarrier.arrive $0xFFFF  }
0x6d: {  	_ =	shalt  }

</sc_bundles>
